<compile_context>
chip_gen: v7x
topology: tpu7x:2x2x1
jax: 0.10.2.dev20260603
libtpu: 0.0.44.dev20260713+nightly
codegen_flags: <defaults>
</compile_context>

<pallas_src>
import functools

import jax
import jax.numpy as jnp
from jax import lax
from jax.experimental import pallas as pl
from jax.experimental.pallas import tpu as pltpu
from jax.experimental.pallas import tpu_sc as plsc

_NBUF = 5
_AHEAD = 4


@functools.cache
def _make_gather(s: int, b: int, d: int, nw: int):
    cw = b // nw
    mesh = plsc.VectorSubcoreMesh(core_axis_name="c", subcore_axis_name="s")

    @functools.partial(
        pl.kernel,
        mesh=mesh,
        out_type=jax.ShapeDtypeStruct((s * nw, cw, d), jnp.float32),
        scratch_types=[
            pltpu.VMEM((s, cw), jnp.int32),
            pltpu.VMEM((_NBUF, cw, d), jnp.float32),
        ] + [pltpu.SemaphoreType.DMA] * (2 * _NBUF),
    )
    def gather(table_hbm, idx_hbm, out_hbm, idx_v, rows_v, *sems):
        wid = lax.axis_index("s") * 2 + lax.axis_index("c")
        gsem = sems[:_NBUF]
        osem = sems[_NBUF:]
        pltpu.sync_copy(idx_hbm.at[:, pl.ds(wid * cw, cw)], idx_v)

        def start_gather(j, bf):
            pltpu.async_copy(table_hbm.at[idx_v.at[j]], rows_v.at[bf], gsem[bf])

        def wait_gather(j, bf):
            pltpu.make_async_copy(
                table_hbm.at[idx_v.at[j]], rows_v.at[bf], gsem[bf]).wait()

        def start_out(j, bf):
            pltpu.async_copy(rows_v.at[bf], out_hbm.at[j * nw + wid], osem[bf])

        def wait_out(j, bf):
            pltpu.make_async_copy(
                rows_v.at[bf], out_hbm.at[j * nw + wid], osem[bf]).wait()

        for bf in range(_AHEAD):
            start_gather(bf, bf)

        def step(g, carry):
            for bf in range(_NBUF):
                j = g * _NBUF + bf
                k_b = (bf + _AHEAD) % _NBUF
                @pl.when(j + _AHEAD < s)
                def _():
                    @pl.when(j + _AHEAD - _NBUF >= 0)
                    def _():
                        wait_out(j + _AHEAD - _NBUF, k_b)

                    start_gather(j + _AHEAD, k_b)

                wait_gather(j, bf)
                start_out(j, bf)
            return carry

        lax.fori_loop(0, s // _NBUF, step, 0)
        for i in range(_NBUF):
            j = s - _NBUF + i
            wait_out(j, j % _NBUF)

    return gather


def kernel(vec, table):
    b, s = vec.shape
    v, d = table.shape
    nw = 32
    assert b % nw == 0 and s % _NBUF == 0
    idx = vec.T.astype(jnp.int32)
    out = _make_gather(s, b, d, nw)(table, idx)
    return out.reshape(s, b, d).transpose(1, 0, 2)

# --- scband reference (transcript-rebuilt; emitter-appended) ---
"""Pipeline reference for scband-embedding-48713519071876 (READ-ONLY COPY).

The authoritative reference and input builder live on the scoring server;
editing this copy changes nothing except your own understanding.
"""

import jax, jax.numpy as jnp
import numpy as np

NTOKEN = 100000
EMBED_DIM = 128

def setup_inputs(seed: int = 0) -> dict:
    key = jax.random.key(seed)
    k1, k2 = jax.random.split(key)
    vec = jax.random.randint(k1, (4096, 50), 0, NTOKEN, dtype=jnp.int64) if jax.config.jax_enable_x64 else jax.random.randint(k1, (4096, 50), 0, NTOKEN, dtype=jnp.int32)
    # xavier_uniform init for embedding weight [NTOKEN, EMBED_DIM]
    fan_in, fan_out = NTOKEN, EMBED_DIM
    bound = float(np.sqrt(6.0 / (fan_in + fan_out)))
    table = jax.random.uniform(k2, (NTOKEN, EMBED_DIM), dtype=jnp.float32, minval=-bound, maxval=bound)
    return {"vec": vec, "table": table}

def reference(vec, table):
    # nn.Embedding forward: gather rows of the table; dropout is None (identity)
    return jnp.take(table, vec, axis=0)

if __name__ == "__main__":
    import jax
    _d = setup_inputs()
    print(jax.jit(kernel)(*tuple(_d.values())))

</pallas_src>

<mosaic_0001>
#map = affine_map<(d0, d1) -> (0, 0)>
#map1 = affine_map<(d0, d1) -> (0, 0, 0)>
module attributes {stable_mosaic.version = 14 : i64} {
  func.func @gather(%arg0: i32, %arg1: i32, %arg2: memref<100000x128xf32, #tpu.memory_space<hbm>>, %arg3: memref<50x4096xi32, #tpu.memory_space<hbm>>, %arg4: memref<1600x128x128xf32, #tpu.memory_space<hbm>>, %arg5: memref<50x128xi32, #tpu.memory_space<vmem>>, %arg6: memref<5x128x128xf32, #tpu.memory_space<vmem>>, %arg7: memref<!tpu.dma_semaphore, #tpu.memory_space<semaphore_mem>>, %arg8: memref<!tpu.dma_semaphore, #tpu.memory_space<semaphore_mem>>, %arg9: memref<!tpu.dma_semaphore, #tpu.memory_space<semaphore_mem>>, %arg10: memref<!tpu.dma_semaphore, #tpu.memory_space<semaphore_mem>>, %arg11: memref<!tpu.dma_semaphore, #tpu.memory_space<semaphore_mem>>, %arg12: memref<!tpu.dma_semaphore, #tpu.memory_space<semaphore_mem>>, %arg13: memref<!tpu.dma_semaphore, #tpu.memory_space<semaphore_mem>>, %arg14: memref<!tpu.dma_semaphore, #tpu.memory_space<semaphore_mem>>, %arg15: memref<!tpu.dma_semaphore, #tpu.memory_space<semaphore_mem>>, %arg16: memref<!tpu.dma_semaphore, #tpu.memory_space<semaphore_mem>>) attributes {dimension_semantics = [#tpu.dimension_semantics<core_parallel>, #tpu.dimension_semantics<subcore_parallel>], iteration_bounds = array<i64: 2, 16>, scalar_prefetch = 0 : i64, scratch_operands = 12 : i64, tpu.core_type = #tpu.core_type<sc_vector_subcore>, window_params = [{transform_indices = #map}, {transform_indices = #map}, {transform_indices = #map1}]} {
    %mul3A = arith.constant 2 : i32
    %mul3A_0 = arith.muli %arg1, %mul3A : i32
    %add3A = arith.addi %mul3A_0, %arg0 : i32
    %mul3A_1 = arith.constant 128 : i32
    %mul3A_2 = arith.muli %add3A, %mul3A_1 : i32
    "tpu.region"() ({
      %run_scoped3A = tpu.sem_alloc : memref<!tpu.dma_semaphore, #tpu.memory_space<semaphore_mem>>
      %dma_start3A_149 = arith.constant 0 : i32
      %dma_start3A_150 = tpu.memref_slice %arg3[%dma_start3A_149, %mul3A_2] : memref<50x4096xi32, #tpu.memory_space<hbm>> -> memref<50x128xi32, #tpu.memory_space<hbm>>
      %dma_start3A_151 = arith.constant 0 : i32
      %dma_start3A_152 = tpu.memref_slice %arg3[%dma_start3A_151, %mul3A_2] : memref<50x4096xi32, #tpu.memory_space<hbm>> -> memref<50x128xi32, #tpu.memory_space<hbm>>
      tpu.enqueue_dma source(%dma_start3A_152 : memref<50x128xi32, #tpu.memory_space<hbm>>) target(%arg5 : memref<50x128xi32, #tpu.memory_space<vmem>>) target_semaphore(%run_scoped3A : memref<!tpu.dma_semaphore, #tpu.memory_space<semaphore_mem>>)
      %dma_wait3A_153 = arith.constant 0 : i32
      %dma_wait3A_154 = tpu.memref_slice %arg3[%dma_wait3A_153, %mul3A_2] : memref<50x4096xi32, #tpu.memory_space<hbm>> -> memref<50x128xi32, #tpu.memory_space<hbm>>
      %dma_wait3A_155 = arith.constant 0 : i32
      %dma_wait3A_156 = tpu.memref_slice %arg3[%dma_wait3A_155, %mul3A_2] : memref<50x4096xi32, #tpu.memory_space<hbm>> -> memref<50x128xi32, #tpu.memory_space<hbm>>
      tpu.wait_dma2 semaphore(%run_scoped3A : memref<!tpu.dma_semaphore, #tpu.memory_space<semaphore_mem>>) src(%dma_wait3A_156 : memref<50x128xi32, #tpu.memory_space<hbm>>) dst(%arg5 : memref<50x128xi32, #tpu.memory_space<vmem>>)
      tpu.yield
    }) : () -> ()
    %dma_start3A = arith.constant 0 : i32
    %dma_start3A_3 = arith.constant 0 : i32
    %dma_start3A_4 = arith.constant 0 : i32
    %dma_start3A_5 = arith.constant 0 : i32
    %dma_start3A_6 = tpu.memref_slice %arg6[%dma_start3A_3, %dma_start3A_4, %dma_start3A_5] : memref<5x128x128xf32, #tpu.memory_space<vmem>> -> memref<1x128x128xf32, #tpu.memory_space<vmem>>
    %dma_start3A_7 = tpu.memref_squeeze %dma_start3A_6 : memref<1x128x128xf32, #tpu.memory_space<vmem>> -> memref<128x128xf32, #tpu.memory_space<vmem>>
    %dma_start3A_8 = arith.constant 0 : i32
    %dma_start3A_9 = tpu.memref_slice %arg5[%dma_start3A, %dma_start3A_8] : memref<50x128xi32, #tpu.memory_space<vmem>> -> memref<1x128xi32, #tpu.memory_space<vmem>>
    %dma_start3A_10 = tpu.memref_squeeze %dma_start3A_9 : memref<1x128xi32, #tpu.memory_space<vmem>> -> memref<128xi32, #tpu.memory_space<vmem>>
    %dma_start3A_11 = arith.constant 0 : i32
    %dma_start3A_12 = arith.constant 0 : i32
    %dma_start3A_13 = tpu.memref_slice %arg2[%dma_start3A_11, %dma_start3A_12] : memref<100000x128xf32, #tpu.memory_space<hbm>> -> memref<100000x128xf32, #tpu.memory_space<hbm>>
    tpu.enqueue_indirect_dma source(%dma_start3A_13 : memref<100000x128xf32, #tpu.memory_space<hbm>>) target(%dma_start3A_7 : memref<128x128xf32, #tpu.memory_space<vmem>>) offsets(%dma_start3A_10 : memref<128xi32, #tpu.memory_space<vmem>>) semaphore(%arg7 : memref<!tpu.dma_semaphore, #tpu.memory_space<semaphore_mem>>)
    %dma_start3A_14 = arith.constant 1 : i32
    %dma_start3A_15 = arith.constant 1 : i32
    %dma_start3A_16 = arith.constant 0 : i32
    %dma_start3A_17 = arith.constant 0 : i32
    %dma_start3A_18 = tpu.memref_slice %arg6[%dma_start3A_15, %dma_start3A_16, %dma_start3A_17] : memref<5x128x128xf32, #tpu.memory_space<vmem>> -> memref<1x128x128xf32, #tpu.memory_space<vmem>>
    %dma_start3A_19 = tpu.memref_squeeze %dma_start3A_18 : memref<1x128x128xf32, #tpu.memory_space<vmem>> -> memref<128x128xf32, #tpu.memory_space<vmem>>
    %dma_start3A_20 = arith.constant 0 : i32
    %dma_start3A_21 = tpu.memref_slice %arg5[%dma_start3A_14, %dma_start3A_20] : memref<50x128xi32, #tpu.memory_space<vmem>> -> memref<1x128xi32, #tpu.memory_space<vmem>>
    %dma_start3A_22 = tpu.memref_squeeze %dma_start3A_21 : memref<1x128xi32, #tpu.memory_space<vmem>> -> memref<128xi32, #tpu.memory_space<vmem>>
    %dma_start3A_23 = arith.constant 0 : i32
    %dma_start3A_24 = arith.constant 0 : i32
    %dma_start3A_25 = tpu.memref_slice %arg2[%dma_start3A_23, %dma_start3A_24] : memref<100000x128xf32, #tpu.memory_space<hbm>> -> memref<100000x128xf32, #tpu.memory_space<hbm>>
    tpu.enqueue_indirect_dma source(%dma_start3A_25 : memref<100000x128xf32, #tpu.memory_space<hbm>>) target(%dma_start3A_19 : memref<128x128xf32, #tpu.memory_space<vmem>>) offsets(%dma_start3A_22 : memref<128xi32, #tpu.memory_space<vmem>>) semaphore(%arg8 : memref<!tpu.dma_semaphore, #tpu.memory_space<semaphore_mem>>)
    %dma_start3A_26 = arith.constant 2 : i32
    %dma_start3A_27 = arith.constant 2 : i32
    %dma_start3A_28 = arith.constant 0 : i32
    %dma_start3A_29 = arith.constant 0 : i32
    %dma_start3A_30 = tpu.memref_slice %arg6[%dma_start3A_27, %dma_start3A_28, %dma_start3A_29] : memref<5x128x128xf32, #tpu.memory_space<vmem>> -> memref<1x128x128xf32, #tpu.memory_space<vmem>>
    %dma_start3A_31 = tpu.memref_squeeze %dma_start3A_30 : memref<1x128x128xf32, #tpu.memory_space<vmem>> -> memref<128x128xf32, #tpu.memory_space<vmem>>
    %dma_start3A_32 = arith.constant 0 : i32
    %dma_start3A_33 = tpu.memref_slice %arg5[%dma_start3A_26, %dma_start3A_32] : memref<50x128xi32, #tpu.memory_space<vmem>> -> memref<1x128xi32, #tpu.memory_space<vmem>>
    %dma_start3A_34 = tpu.memref_squeeze %dma_start3A_33 : memref<1x128xi32, #tpu.memory_space<vmem>> -> memref<128xi32, #tpu.memory_space<vmem>>
    %dma_start3A_35 = arith.constant 0 : i32
    %dma_start3A_36 = arith.constant 0 : i32
    %dma_start3A_37 = tpu.memref_slice %arg2[%dma_start3A_35, %dma_start3A_36] : memref<100000x128xf32, #tpu.memory_space<hbm>> -> memref<100000x128xf32, #tpu.memory_space<hbm>>
    tpu.enqueue_indirect_dma source(%dma_start3A_37 : memref<100000x128xf32, #tpu.memory_space<hbm>>) target(%dma_start3A_31 : memref<128x128xf32, #tpu.memory_space<vmem>>) offsets(%dma_start3A_34 : memref<128xi32, #tpu.memory_space<vmem>>) semaphore(%arg9 : memref<!tpu.dma_semaphore, #tpu.memory_space<semaphore_mem>>)
    %dma_start3A_38 = arith.constant 3 : i32
    %dma_start3A_39 = arith.constant 3 : i32
    %dma_start3A_40 = arith.constant 0 : i32
    %dma_start3A_41 = arith.constant 0 : i32
    %dma_start3A_42 = tpu.memref_slice %arg6[%dma_start3A_39, %dma_start3A_40, %dma_start3A_41] : memref<5x128x128xf32, #tpu.memory_space<vmem>> -> memref<1x128x128xf32, #tpu.memory_space<vmem>>
    %dma_start3A_43 = tpu.memref_squeeze %dma_start3A_42 : memref<1x128x128xf32, #tpu.memory_space<vmem>> -> memref<128x128xf32, #tpu.memory_space<vmem>>
    %dma_start3A_44 = arith.constant 0 : i32
    %dma_start3A_45 = tpu.memref_slice %arg5[%dma_start3A_38, %dma_start3A_44] : memref<50x128xi32, #tpu.memory_space<vmem>> -> memref<1x128xi32, #tpu.memory_space<vmem>>
    %dma_start3A_46 = tpu.memref_squeeze %dma_start3A_45 : memref<1x128xi32, #tpu.memory_space<vmem>> -> memref<128xi32, #tpu.memory_space<vmem>>
    %dma_start3A_47 = arith.constant 0 : i32
    %dma_start3A_48 = arith.constant 0 : i32
    %dma_start3A_49 = tpu.memref_slice %arg2[%dma_start3A_47, %dma_start3A_48] : memref<100000x128xf32, #tpu.memory_space<hbm>> -> memref<100000x128xf32, #tpu.memory_space<hbm>>
    tpu.enqueue_indirect_dma source(%dma_start3A_49 : memref<100000x128xf32, #tpu.memory_space<hbm>>) target(%dma_start3A_43 : memref<128x128xf32, #tpu.memory_space<vmem>>) offsets(%dma_start3A_46 : memref<128xi32, #tpu.memory_space<vmem>>) semaphore(%arg10 : memref<!tpu.dma_semaphore, #tpu.memory_space<semaphore_mem>>)
    %scan3A = arith.constant 0 : i32
    %scan3A_50 = arith.constant 0 : i32
    %scan3A_51 = arith.constant 10 : i32
    %scan3A_52 = arith.addi %scan3A_50, %scan3A_51 : i32
    %scan3A_53 = arith.constant 1 : i32
    scf.for %scan3A_149 = %scan3A_50 to %scan3A_52 step %scan3A_53  : i32 {
      %mul3A_150 = arith.constant 5 : i32
      %mul3A_151 = arith.muli %scan3A_149, %mul3A_150 : i32
      %add3A_152 = arith.constant 0 : i32
      %add3A_153 = arith.addi %mul3A_151, %add3A_152 : i32
      %add3A_154 = arith.constant 4 : i32
      %add3A_155 = arith.addi %add3A_153, %add3A_154 : i32
      %lt3A = arith.constant 50 : i32
      %lt3A_156 = arith.cmpi slt, %add3A_155, %lt3A : i32
      %convert_element_type3A = arith.extui %lt3A_156 : i1 to i32
      %cond3A = arith.constant 0 : i32
      %cond3A_157 = arith.cmpi ne, %convert_element_type3A, %cond3A : i32
      scf.if %cond3A_157 {
        %add3A_357 = arith.constant 4 : i32
        %add3A_358 = arith.addi %add3A_153, %add3A_357 : i32
        %sub3A = arith.constant 5 : i32
        %sub3A_359 = arith.subi %add3A_358, %sub3A : i32
        %ge3A = arith.constant 0 : i32
        %ge3A_360 = arith.cmpi sge, %sub3A_359, %ge3A : i32
        %convert_element_type3A_361 = arith.extui %ge3A_360 : i1 to i32
        %cond3A_362 = arith.constant 0 : i32
        %cond3A_363 = arith.cmpi ne, %convert_element_type3A_361, %cond3A_362 : i32
        scf.if %cond3A_363 {
          %add3A_377 = arith.constant 4 : i32
          %add3A_378 = arith.addi %add3A_153, %add3A_377 : i32
          %sub3A_379 = arith.constant 5 : i32
          %sub3A_380 = arith.subi %add3A_378, %sub3A_379 : i32
          %mul3A_381 = arith.constant 32 : i32
          %mul3A_382 = arith.muli %sub3A_380, %mul3A_381 : i32
          %add3A_383 = arith.addi %mul3A_382, %add3A : i32
          %dma_wait3A_384 = arith.constant 4 : i32
          %dma_wait3A_385 = arith.constant 0 : i32
          %dma_wait3A_386 = arith.constant 0 : i32
          %dma_wait3A_387 = tpu.memref_slice %arg6[%dma_wait3A_384, %dma_wait3A_385, %dma_wait3A_386] : memref<5x128x128xf32, #tpu.memory_space<vmem>> -> memref<1x128x128xf32, #tpu.memory_space<vmem>>
          %dma_wait3A_388 = tpu.memref_squeeze %dma_wait3A_387 : memref<1x128x128xf32, #tpu.memory_space<vmem>> -> memref<128x128xf32, #tpu.memory_space<vmem>>
          %dma_wait3A_389 = arith.constant 0 : i32
          %dma_wait3A_390 = arith.constant 0 : i32
          %dma_wait3A_391 = tpu.memref_slice %arg4[%add3A_383, %dma_wait3A_389, %dma_wait3A_390] : memref<1600x128x128xf32, #tpu.memory_space<hbm>> -> memref<1x128x128xf32, #tpu.memory_space<hbm>>
          %dma_wait3A_392 = tpu.memref_squeeze %dma_wait3A_391 : memref<1x128x128xf32, #tpu.memory_space<hbm>> -> memref<128x128xf32, #tpu.memory_space<hbm>>
          %dma_wait3A_393 = arith.constant 0 : i32
          %dma_wait3A_394 = arith.constant 0 : i32
          %dma_wait3A_395 = tpu.memref_slice %arg4[%add3A_383, %dma_wait3A_393, %dma_wait3A_394] : memref<1600x128x128xf32, #tpu.memory_space<hbm>> -> memref<1x128x128xf32, #tpu.memory_space<hbm>>
          %dma_wait3A_396 = tpu.memref_squeeze %dma_wait3A_395 : memref<1x128x128xf32, #tpu.memory_space<hbm>> -> memref<128x128xf32, #tpu.memory_space<hbm>>
          %dma_wait3A_397 = arith.constant 0 : i32
          %dma_wait3A_398 = arith.constant 0 : i32
          %dma_wait3A_399 = tpu.memref_slice %arg6[%dma_wait3A_384, %dma_wait3A_397, %dma_wait3A_398] : memref<5x128x128xf32, #tpu.memory_space<vmem>> -> memref<1x128x128xf32, #tpu.memory_space<vmem>>
          %dma_wait3A_400 = tpu.memref_squeeze %dma_wait3A_399 : memref<1x128x128xf32, #tpu.memory_space<vmem>> -> memref<128x128xf32, #tpu.memory_space<vmem>>
          tpu.wait_dma2 semaphore(%arg16 : memref<!tpu.dma_semaphore, #tpu.memory_space<semaphore_mem>>) src(%dma_wait3A_400 : memref<128x128xf32, #tpu.memory_space<vmem>>) dst(%dma_wait3A_396 : memref<128x128xf32, #tpu.memory_space<hbm>>)
        } else {
        }
        %add3A_364 = arith.constant 4 : i32
        %add3A_365 = arith.addi %add3A_153, %add3A_364 : i32
        %dma_start3A_366 = arith.constant 4 : i32
        %dma_start3A_367 = arith.constant 0 : i32
        %dma_start3A_368 = arith.constant 0 : i32
        %dma_start3A_369 = tpu.memref_slice %arg6[%dma_start3A_366, %dma_start3A_367, %dma_start3A_368] : memref<5x128x128xf32, #tpu.memory_space<vmem>> -> memref<1x128x128xf32, #tpu.memory_space<vmem>>
        %dma_start3A_370 = tpu.memref_squeeze %dma_start3A_369 : memref<1x128x128xf32, #tpu.memory_space<vmem>> -> memref<128x128xf32, #tpu.memory_space<vmem>>
        %dma_start3A_371 = arith.constant 0 : i32
        %dma_start3A_372 = tpu.memref_slice %arg5[%add3A_365, %dma_start3A_371] : memref<50x128xi32, #tpu.memory_space<vmem>> -> memref<1x128xi32, #tpu.memory_space<vmem>>
        %dma_start3A_373 = tpu.memref_squeeze %dma_start3A_372 : memref<1x128xi32, #tpu.memory_space<vmem>> -> memref<128xi32, #tpu.memory_space<vmem>>
        %dma_start3A_374 = arith.constant 0 : i32
        %dma_start3A_375 = arith.constant 0 : i32
        %dma_start3A_376 = tpu.memref_slice %arg2[%dma_start3A_374, %dma_start3A_375] : memref<100000x128xf32, #tpu.memory_space<hbm>> -> memref<100000x128xf32, #tpu.memory_space<hbm>>
        tpu.enqueue_indirect_dma source(%dma_start3A_376 : memref<100000x128xf32, #tpu.memory_space<hbm>>) target(%dma_start3A_370 : memref<128x128xf32, #tpu.memory_space<vmem>>) offsets(%dma_start3A_373 : memref<128xi32, #tpu.memory_space<vmem>>) semaphore(%arg11 : memref<!tpu.dma_semaphore, #tpu.memory_space<semaphore_mem>>)
      } else {
      }
      %dma_wait3A_158 = arith.constant 0 : i32
      %dma_wait3A_159 = arith.constant 0 : i32
      %dma_wait3A_160 = arith.constant 0 : i32
      %dma_wait3A_161 = tpu.memref_slice %arg6[%dma_wait3A_158, %dma_wait3A_159, %dma_wait3A_160] : memref<5x128x128xf32, #tpu.memory_space<vmem>> -> memref<1x128x128xf32, #tpu.memory_space<vmem>>
      %dma_wait3A_162 = tpu.memref_squeeze %dma_wait3A_161 : memref<1x128x128xf32, #tpu.memory_space<vmem>> -> memref<128x128xf32, #tpu.memory_space<vmem>>
      %dma_wait3A_163 = arith.constant 0 : i32
      %dma_wait3A_164 = tpu.memref_slice %arg5[%add3A_153, %dma_wait3A_163] : memref<50x128xi32, #tpu.memory_space<vmem>> -> memref<1x128xi32, #tpu.memory_space<vmem>>
      %dma_wait3A_165 = tpu.memref_squeeze %dma_wait3A_164 : memref<1x128xi32, #tpu.memory_space<vmem>> -> memref<128xi32, #tpu.memory_space<vmem>>
      %dma_wait3A_166 = arith.constant 0 : i32
      %dma_wait3A_167 = arith.constant 0 : i32
      %dma_wait3A_168 = tpu.memref_slice %arg2[%dma_wait3A_166, %dma_wait3A_167] : memref<100000x128xf32, #tpu.memory_space<hbm>> -> memref<100000x128xf32, #tpu.memory_space<hbm>>
      tpu.wait_indirect_dma semaphore(%arg7 : memref<!tpu.dma_semaphore, #tpu.memory_space<semaphore_mem>>) src(%dma_wait3A_168 : memref<100000x128xf32, #tpu.memory_space<hbm>>) dst(%dma_wait3A_162 : memref<128x128xf32, #tpu.memory_space<vmem>>)
      %mul3A_169 = arith.constant 32 : i32
      %mul3A_170 = arith.muli %add3A_153, %mul3A_169 : i32
      %add3A_171 = arith.addi %mul3A_170, %add3A : i32
      %dma_start3A_172 = arith.constant 0 : i32
      %dma_start3A_173 = arith.constant 0 : i32
      %dma_start3A_174 = arith.constant 0 : i32
      %dma_start3A_175 = tpu.memref_slice %arg6[%dma_start3A_172, %dma_start3A_173, %dma_start3A_174] : memref<5x128x128xf32, #tpu.memory_space<vmem>> -> memref<1x128x128xf32, #tpu.memory_space<vmem>>
      %dma_start3A_176 = tpu.memref_squeeze %dma_start3A_175 : memref<1x128x128xf32, #tpu.memory_space<vmem>> -> memref<128x128xf32, #tpu.memory_space<vmem>>
      %dma_start3A_177 = arith.constant 0 : i32
      %dma_start3A_178 = arith.constant 0 : i32
      %dma_start3A_179 = tpu.memref_slice %arg4[%add3A_171, %dma_start3A_177, %dma_start3A_178] : memref<1600x128x128xf32, #tpu.memory_space<hbm>> -> memref<1x128x128xf32, #tpu.memory_space<hbm>>
      %dma_start3A_180 = tpu.memref_squeeze %dma_start3A_179 : memref<1x128x128xf32, #tpu.memory_space<hbm>> -> memref<128x128xf32, #tpu.memory_space<hbm>>
      %dma_start3A_181 = arith.constant 0 : i32
      %dma_start3A_182 = arith.constant 0 : i32
      %dma_start3A_183 = tpu.memref_slice %arg4[%add3A_171, %dma_start3A_181, %dma_start3A_182] : memref<1600x128x128xf32, #tpu.memory_space<hbm>> -> memref<1x128x128xf32, #tpu.memory_space<hbm>>
      %dma_start3A_184 = tpu.memref_squeeze %dma_start3A_183 : memref<1x128x128xf32, #tpu.memory_space<hbm>> -> memref<128x128xf32, #tpu.memory_space<hbm>>
      %dma_start3A_185 = arith.constant 0 : i32
      %dma_start3A_186 = arith.constant 0 : i32
      %dma_start3A_187 = tpu.memref_slice %arg6[%dma_start3A_172, %dma_start3A_185, %dma_start3A_186] : memref<5x128x128xf32, #tpu.memory_space<vmem>> -> memref<1x128x128xf32, #tpu.memory_space<vmem>>
      %dma_start3A_188 = tpu.memref_squeeze %dma_start3A_187 : memref<1x128x128xf32, #tpu.memory_space<vmem>> -> memref<128x128xf32, #tpu.memory_space<vmem>>
      tpu.enqueue_dma source(%dma_start3A_188 : memref<128x128xf32, #tpu.memory_space<vmem>>) target(%dma_start3A_184 : memref<128x128xf32, #tpu.memory_space<hbm>>) target_semaphore(%arg12 : memref<!tpu.dma_semaphore, #tpu.memory_space<semaphore_mem>>)
      %mul3A_189 = arith.constant 5 : i32
      %mul3A_190 = arith.muli %scan3A_149, %mul3A_189 : i32
      %add3A_191 = arith.constant 1 : i32
      %add3A_192 = arith.addi %mul3A_190, %add3A_191 : i32
      %add3A_193 = arith.constant 4 : i32
      %add3A_194 = arith.addi %add3A_192, %add3A_193 : i32
      %lt3A_195 = arith.constant 50 : i32
      %lt3A_196 = arith.cmpi slt, %add3A_194, %lt3A_195 : i32
      %convert_element_type3A_197 = arith.extui %lt3A_196 : i1 to i32
      %cond3A_198 = arith.constant 0 : i32
      %cond3A_199 = arith.cmpi ne, %convert_element_type3A_197, %cond3A_198 : i32
      scf.if %cond3A_199 {
        %add3A_357 = arith.constant 4 : i32
        %add3A_358 = arith.addi %add3A_192, %add3A_357 : i32
        %sub3A = arith.constant 5 : i32
        %sub3A_359 = arith.subi %add3A_358, %sub3A : i32
        %ge3A = arith.constant 0 : i32
        %ge3A_360 = arith.cmpi sge, %sub3A_359, %ge3A : i32
        %convert_element_type3A_361 = arith.extui %ge3A_360 : i1 to i32
        %cond3A_362 = arith.constant 0 : i32
        %cond3A_363 = arith.cmpi ne, %convert_element_type3A_361, %cond3A_362 : i32
        scf.if %cond3A_363 {
          %add3A_377 = arith.constant 4 : i32
          %add3A_378 = arith.addi %add3A_192, %add3A_377 : i32
          %sub3A_379 = arith.constant 5 : i32
          %sub3A_380 = arith.subi %add3A_378, %sub3A_379 : i32
          %mul3A_381 = arith.constant 32 : i32
          %mul3A_382 = arith.muli %sub3A_380, %mul3A_381 : i32
          %add3A_383 = arith.addi %mul3A_382, %add3A : i32
          %dma_wait3A_384 = arith.constant 0 : i32
          %dma_wait3A_385 = arith.constant 0 : i32
          %dma_wait3A_386 = arith.constant 0 : i32
          %dma_wait3A_387 = tpu.memref_slice %arg6[%dma_wait3A_384, %dma_wait3A_385, %dma_wait3A_386] : memref<5x128x128xf32, #tpu.memory_space<vmem>> -> memref<1x128x128xf32, #tpu.memory_space<vmem>>
          %dma_wait3A_388 = tpu.memref_squeeze %dma_wait3A_387 : memref<1x128x128xf32, #tpu.memory_space<vmem>> -> memref<128x128xf32, #tpu.memory_space<vmem>>
          %dma_wait3A_389 = arith.constant 0 : i32
          %dma_wait3A_390 = arith.constant 0 : i32
          %dma_wait3A_391 = tpu.memref_slice %arg4[%add3A_383, %dma_wait3A_389, %dma_wait3A_390] : memref<1600x128x128xf32, #tpu.memory_space<hbm>> -> memref<1x128x128xf32, #tpu.memory_space<hbm>>
          %dma_wait3A_392 = tpu.memref_squeeze %dma_wait3A_391 : memref<1x128x128xf32, #tpu.memory_space<hbm>> -> memref<128x128xf32, #tpu.memory_space<hbm>>
          %dma_wait3A_393 = arith.constant 0 : i32
          %dma_wait3A_394 = arith.constant 0 : i32
          %dma_wait3A_395 = tpu.memref_slice %arg4[%add3A_383, %dma_wait3A_393, %dma_wait3A_394] : memref<1600x128x128xf32, #tpu.memory_space<hbm>> -> memref<1x128x128xf32, #tpu.memory_space<hbm>>
          %dma_wait3A_396 = tpu.memref_squeeze %dma_wait3A_395 : memref<1x128x128xf32, #tpu.memory_space<hbm>> -> memref<128x128xf32, #tpu.memory_space<hbm>>
          %dma_wait3A_397 = arith.constant 0 : i32
          %dma_wait3A_398 = arith.constant 0 : i32
          %dma_wait3A_399 = tpu.memref_slice %arg6[%dma_wait3A_384, %dma_wait3A_397, %dma_wait3A_398] : memref<5x128x128xf32, #tpu.memory_space<vmem>> -> memref<1x128x128xf32, #tpu.memory_space<vmem>>
          %dma_wait3A_400 = tpu.memref_squeeze %dma_wait3A_399 : memref<1x128x128xf32, #tpu.memory_space<vmem>> -> memref<128x128xf32, #tpu.memory_space<vmem>>
          tpu.wait_dma2 semaphore(%arg12 : memref<!tpu.dma_semaphore, #tpu.memory_space<semaphore_mem>>) src(%dma_wait3A_400 : memref<128x128xf32, #tpu.memory_space<vmem>>) dst(%dma_wait3A_396 : memref<128x128xf32, #tpu.memory_space<hbm>>)
        } else {
        }
        %add3A_364 = arith.constant 4 : i32
        %add3A_365 = arith.addi %add3A_192, %add3A_364 : i32
        %dma_start3A_366 = arith.constant 0 : i32
        %dma_start3A_367 = arith.constant 0 : i32
        %dma_start3A_368 = arith.constant 0 : i32
        %dma_start3A_369 = tpu.memref_slice %arg6[%dma_start3A_366, %dma_start3A_367, %dma_start3A_368] : memref<5x128x128xf32, #tpu.memory_space<vmem>> -> memref<1x128x128xf32, #tpu.memory_space<vmem>>
        %dma_start3A_370 = tpu.memref_squeeze %dma_start3A_369 : memref<1x128x128xf32, #tpu.memory_space<vmem>> -> memref<128x128xf32, #tpu.memory_space<vmem>>
        %dma_start3A_371 = arith.constant 0 : i32
        %dma_start3A_372 = tpu.memref_slice %arg5[%add3A_365, %dma_start3A_371] : memref<50x128xi32, #tpu.memory_space<vmem>> -> memref<1x128xi32, #tpu.memory_space<vmem>>
        %dma_start3A_373 = tpu.memref_squeeze %dma_start3A_372 : memref<1x128xi32, #tpu.memory_space<vmem>> -> memref<128xi32, #tpu.memory_space<vmem>>
        %dma_start3A_374 = arith.constant 0 : i32
        %dma_start3A_375 = arith.constant 0 : i32
        %dma_start3A_376 = tpu.memref_slice %arg2[%dma_start3A_374, %dma_start3A_375] : memref<100000x128xf32, #tpu.memory_space<hbm>> -> memref<100000x128xf32, #tpu.memory_space<hbm>>
        tpu.enqueue_indirect_dma source(%dma_start3A_376 : memref<100000x128xf32, #tpu.memory_space<hbm>>) target(%dma_start3A_370 : memref<128x128xf32, #tpu.memory_space<vmem>>) offsets(%dma_start3A_373 : memref<128xi32, #tpu.memory_space<vmem>>) semaphore(%arg7 : memref<!tpu.dma_semaphore, #tpu.memory_space<semaphore_mem>>)
      } else {
      }
      %dma_wait3A_200 = arith.constant 1 : i32
      %dma_wait3A_201 = arith.constant 0 : i32
      %dma_wait3A_202 = arith.constant 0 : i32
      %dma_wait3A_203 = tpu.memref_slice %arg6[%dma_wait3A_200, %dma_wait3A_201, %dma_wait3A_202] : memref<5x128x128xf32, #tpu.memory_space<vmem>> -> memref<1x128x128xf32, #tpu.memory_space<vmem>>
      %dma_wait3A_204 = tpu.memref_squeeze %dma_wait3A_203 : memref<1x128x128xf32, #tpu.memory_space<vmem>> -> memref<128x128xf32, #tpu.memory_space<vmem>>
      %dma_wait3A_205 = arith.constant 0 : i32
      %dma_wait3A_206 = tpu.memref_slice %arg5[%add3A_192, %dma_wait3A_205] : memref<50x128xi32, #tpu.memory_space<vmem>> -> memref<1x128xi32, #tpu.memory_space<vmem>>
      %dma_wait3A_207 = tpu.memref_squeeze %dma_wait3A_206 : memref<1x128xi32, #tpu.memory_space<vmem>> -> memref<128xi32, #tpu.memory_space<vmem>>
      %dma_wait3A_208 = arith.constant 0 : i32
      %dma_wait3A_209 = arith.constant 0 : i32
      %dma_wait3A_210 = tpu.memref_slice %arg2[%dma_wait3A_208, %dma_wait3A_209] : memref<100000x128xf32, #tpu.memory_space<hbm>> -> memref<100000x128xf32, #tpu.memory_space<hbm>>
      tpu.wait_indirect_dma semaphore(%arg8 : memref<!tpu.dma_semaphore, #tpu.memory_space<semaphore_mem>>) src(%dma_wait3A_210 : memref<100000x128xf32, #tpu.memory_space<hbm>>) dst(%dma_wait3A_204 : memref<128x128xf32, #tpu.memory_space<vmem>>)
      %mul3A_211 = arith.constant 32 : i32
      %mul3A_212 = arith.muli %add3A_192, %mul3A_211 : i32
      %add3A_213 = arith.addi %mul3A_212, %add3A : i32
      %dma_start3A_214 = arith.constant 1 : i32
      %dma_start3A_215 = arith.constant 0 : i32
      %dma_start3A_216 = arith.constant 0 : i32
      %dma_start3A_217 = tpu.memref_slice %arg6[%dma_start3A_214, %dma_start3A_215, %dma_start3A_216] : memref<5x128x128xf32, #tpu.memory_space<vmem>> -> memref<1x128x128xf32, #tpu.memory_space<vmem>>
      %dma_start3A_218 = tpu.memref_squeeze %dma_start3A_217 : memref<1x128x128xf32, #tpu.memory_space<vmem>> -> memref<128x128xf32, #tpu.memory_space<vmem>>
      %dma_start3A_219 = arith.constant 0 : i32
      %dma_start3A_220 = arith.constant 0 : i32
      %dma_start3A_221 = tpu.memref_slice %arg4[%add3A_213, %dma_start3A_219, %dma_start3A_220] : memref<1600x128x128xf32, #tpu.memory_space<hbm>> -> memref<1x128x128xf32, #tpu.memory_space<hbm>>
      %dma_start3A_222 = tpu.memref_squeeze %dma_start3A_221 : memref<1x128x128xf32, #tpu.memory_space<hbm>> -> memref<128x128xf32, #tpu.memory_space<hbm>>
      %dma_start3A_223 = arith.constant 0 : i32
      %dma_start3A_224 = arith.constant 0 : i32
      %dma_start3A_225 = tpu.memref_slice %arg4[%add3A_213, %dma_start3A_223, %dma_start3A_224] : memref<1600x128x128xf32, #tpu.memory_space<hbm>> -> memref<1x128x128xf32, #tpu.memory_space<hbm>>
      %dma_start3A_226 = tpu.memref_squeeze %dma_start3A_225 : memref<1x128x128xf32, #tpu.memory_space<hbm>> -> memref<128x128xf32, #tpu.memory_space<hbm>>
      %dma_start3A_227 = arith.constant 0 : i32
      %dma_start3A_228 = arith.constant 0 : i32
      %dma_start3A_229 = tpu.memref_slice %arg6[%dma_start3A_214, %dma_start3A_227, %dma_start3A_228] : memref<5x128x128xf32, #tpu.memory_space<vmem>> -> memref<1x128x128xf32, #tpu.memory_space<vmem>>
      %dma_start3A_230 = tpu.memref_squeeze %dma_start3A_229 : memref<1x128x128xf32, #tpu.memory_space<vmem>> -> memref<128x128xf32, #tpu.memory_space<vmem>>
      tpu.enqueue_dma source(%dma_start3A_230 : memref<128x128xf32, #tpu.memory_space<vmem>>) target(%dma_start3A_226 : memref<128x128xf32, #tpu.memory_space<hbm>>) target_semaphore(%arg13 : memref<!tpu.dma_semaphore, #tpu.memory_space<semaphore_mem>>)
      %mul3A_231 = arith.constant 5 : i32
      %mul3A_232 = arith.muli %scan3A_149, %mul3A_231 : i32
      %add3A_233 = arith.constant 2 : i32
      %add3A_234 = arith.addi %mul3A_232, %add3A_233 : i32
      %add3A_235 = arith.constant 4 : i32
      %add3A_236 = arith.addi %add3A_234, %add3A_235 : i32
      %lt3A_237 = arith.constant 50 : i32
      %lt3A_238 = arith.cmpi slt, %add3A_236, %lt3A_237 : i32
      %convert_element_type3A_239 = arith.extui %lt3A_238 : i1 to i32
      %cond3A_240 = arith.constant 0 : i32
      %cond3A_241 = arith.cmpi ne, %convert_element_type3A_239, %cond3A_240 : i32
      scf.if %cond3A_241 {
        %add3A_357 = arith.constant 4 : i32
        %add3A_358 = arith.addi %add3A_234, %add3A_357 : i32
        %sub3A = arith.constant 5 : i32
        %sub3A_359 = arith.subi %add3A_358, %sub3A : i32
        %ge3A = arith.constant 0 : i32
        %ge3A_360 = arith.cmpi sge, %sub3A_359, %ge3A : i32
        %convert_element_type3A_361 = arith.extui %ge3A_360 : i1 to i32
        %cond3A_362 = arith.constant 0 : i32
        %cond3A_363 = arith.cmpi ne, %convert_element_type3A_361, %cond3A_362 : i32
        scf.if %cond3A_363 {
          %add3A_377 = arith.constant 4 : i32
          %add3A_378 = arith.addi %add3A_234, %add3A_377 : i32
          %sub3A_379 = arith.constant 5 : i32
          %sub3A_380 = arith.subi %add3A_378, %sub3A_379 : i32
          %mul3A_381 = arith.constant 32 : i32
          %mul3A_382 = arith.muli %sub3A_380, %mul3A_381 : i32
          %add3A_383 = arith.addi %mul3A_382, %add3A : i32
          %dma_wait3A_384 = arith.constant 1 : i32
          %dma_wait3A_385 = arith.constant 0 : i32
          %dma_wait3A_386 = arith.constant 0 : i32
          %dma_wait3A_387 = tpu.memref_slice %arg6[%dma_wait3A_384, %dma_wait3A_385, %dma_wait3A_386] : memref<5x128x128xf32, #tpu.memory_space<vmem>> -> memref<1x128x128xf32, #tpu.memory_space<vmem>>
          %dma_wait3A_388 = tpu.memref_squeeze %dma_wait3A_387 : memref<1x128x128xf32, #tpu.memory_space<vmem>> -> memref<128x128xf32, #tpu.memory_space<vmem>>
          %dma_wait3A_389 = arith.constant 0 : i32
          %dma_wait3A_390 = arith.constant 0 : i32
          %dma_wait3A_391 = tpu.memref_slice %arg4[%add3A_383, %dma_wait3A_389, %dma_wait3A_390] : memref<1600x128x128xf32, #tpu.memory_space<hbm>> -> memref<1x128x128xf32, #tpu.memory_space<hbm>>
          %dma_wait3A_392 = tpu.memref_squeeze %dma_wait3A_391 : memref<1x128x128xf32, #tpu.memory_space<hbm>> -> memref<128x128xf32, #tpu.memory_space<hbm>>
          %dma_wait3A_393 = arith.constant 0 : i32
          %dma_wait3A_394 = arith.constant 0 : i32
          %dma_wait3A_395 = tpu.memref_slice %arg4[%add3A_383, %dma_wait3A_393, %dma_wait3A_394] : memref<1600x128x128xf32, #tpu.memory_space<hbm>> -> memref<1x128x128xf32, #tpu.memory_space<hbm>>
          %dma_wait3A_396 = tpu.memref_squeeze %dma_wait3A_395 : memref<1x128x128xf32, #tpu.memory_space<hbm>> -> memref<128x128xf32, #tpu.memory_space<hbm>>
          %dma_wait3A_397 = arith.constant 0 : i32
          %dma_wait3A_398 = arith.constant 0 : i32
          %dma_wait3A_399 = tpu.memref_slice %arg6[%dma_wait3A_384, %dma_wait3A_397, %dma_wait3A_398] : memref<5x128x128xf32, #tpu.memory_space<vmem>> -> memref<1x128x128xf32, #tpu.memory_space<vmem>>
          %dma_wait3A_400 = tpu.memref_squeeze %dma_wait3A_399 : memref<1x128x128xf32, #tpu.memory_space<vmem>> -> memref<128x128xf32, #tpu.memory_space<vmem>>
          tpu.wait_dma2 semaphore(%arg13 : memref<!tpu.dma_semaphore, #tpu.memory_space<semaphore_mem>>) src(%dma_wait3A_400 : memref<128x128xf32, #tpu.memory_space<vmem>>) dst(%dma_wait3A_396 : memref<128x128xf32, #tpu.memory_space<hbm>>)
        } else {
        }
        %add3A_364 = arith.constant 4 : i32
        %add3A_365 = arith.addi %add3A_234, %add3A_364 : i32
        %dma_start3A_366 = arith.constant 1 : i32
        %dma_start3A_367 = arith.constant 0 : i32
        %dma_start3A_368 = arith.constant 0 : i32
        %dma_start3A_369 = tpu.memref_slice %arg6[%dma_start3A_366, %dma_start3A_367, %dma_start3A_368] : memref<5x128x128xf32, #tpu.memory_space<vmem>> -> memref<1x128x128xf32, #tpu.memory_space<vmem>>
        %dma_start3A_370 = tpu.memref_squeeze %dma_start3A_369 : memref<1x128x128xf32, #tpu.memory_space<vmem>> -> memref<128x128xf32, #tpu.memory_space<vmem>>
        %dma_start3A_371 = arith.constant 0 : i32
        %dma_start3A_372 = tpu.memref_slice %arg5[%add3A_365, %dma_start3A_371] : memref<50x128xi32, #tpu.memory_space<vmem>> -> memref<1x128xi32, #tpu.memory_space<vmem>>
        %dma_start3A_373 = tpu.memref_squeeze %dma_start3A_372 : memref<1x128xi32, #tpu.memory_space<vmem>> -> memref<128xi32, #tpu.memory_space<vmem>>
        %dma_start3A_374 = arith.constant 0 : i32
        %dma_start3A_375 = arith.constant 0 : i32
        %dma_start3A_376 = tpu.memref_slice %arg2[%dma_start3A_374, %dma_start3A_375] : memref<100000x128xf32, #tpu.memory_space<hbm>> -> memref<100000x128xf32, #tpu.memory_space<hbm>>
        tpu.enqueue_indirect_dma source(%dma_start3A_376 : memref<100000x128xf32, #tpu.memory_space<hbm>>) target(%dma_start3A_370 : memref<128x128xf32, #tpu.memory_space<vmem>>) offsets(%dma_start3A_373 : memref<128xi32, #tpu.memory_space<vmem>>) semaphore(%arg8 : memref<!tpu.dma_semaphore, #tpu.memory_space<semaphore_mem>>)
      } else {
      }
      %dma_wait3A_242 = arith.constant 2 : i32
      %dma_wait3A_243 = arith.constant 0 : i32
      %dma_wait3A_244 = arith.constant 0 : i32
      %dma_wait3A_245 = tpu.memref_slice %arg6[%dma_wait3A_242, %dma_wait3A_243, %dma_wait3A_244] : memref<5x128x128xf32, #tpu.memory_space<vmem>> -> memref<1x128x128xf32, #tpu.memory_space<vmem>>
      %dma_wait3A_246 = tpu.memref_squeeze %dma_wait3A_245 : memref<1x128x128xf32, #tpu.memory_space<vmem>> -> memref<128x128xf32, #tpu.memory_space<vmem>>
      %dma_wait3A_247 = arith.constant 0 : i32
      %dma_wait3A_248 = tpu.memref_slice %arg5[%add3A_234, %dma_wait3A_247] : memref<50x128xi32, #tpu.memory_space<vmem>> -> memref<1x128xi32, #tpu.memory_space<vmem>>
      %dma_wait3A_249 = tpu.memref_squeeze %dma_wait3A_248 : memref<1x128xi32, #tpu.memory_space<vmem>> -> memref<128xi32, #tpu.memory_space<vmem>>
      %dma_wait3A_250 = arith.constant 0 : i32
      %dma_wait3A_251 = arith.constant 0 : i32
      %dma_wait3A_252 = tpu.memref_slice %arg2[%dma_wait3A_250, %dma_wait3A_251] : memref<100000x128xf32, #tpu.memory_space<hbm>> -> memref<100000x128xf32, #tpu.memory_space<hbm>>
      tpu.wait_indirect_dma semaphore(%arg9 : memref<!tpu.dma_semaphore, #tpu.memory_space<semaphore_mem>>) src(%dma_wait3A_252 : memref<100000x128xf32, #tpu.memory_space<hbm>>) dst(%dma_wait3A_246 : memref<128x128xf32, #tpu.memory_space<vmem>>)
      %mul3A_253 = arith.constant 32 : i32
      %mul3A_254 = arith.muli %add3A_234, %mul3A_253 : i32
      %add3A_255 = arith.addi %mul3A_254, %add3A : i32
      %dma_start3A_256 = arith.constant 2 : i32
      %dma_start3A_257 = arith.constant 0 : i32
      %dma_start3A_258 = arith.constant 0 : i32
      %dma_start3A_259 = tpu.memref_slice %arg6[%dma_start3A_256, %dma_start3A_257, %dma_start3A_258] : memref<5x128x128xf32, #tpu.memory_space<vmem>> -> memref<1x128x128xf32, #tpu.memory_space<vmem>>
      %dma_start3A_260 = tpu.memref_squeeze %dma_start3A_259 : memref<1x128x128xf32, #tpu.memory_space<vmem>> -> memref<128x128xf32, #tpu.memory_space<vmem>>
      %dma_start3A_261 = arith.constant 0 : i32
      %dma_start3A_262 = arith.constant 0 : i32
      %dma_start3A_263 = tpu.memref_slice %arg4[%add3A_255, %dma_start3A_261, %dma_start3A_262] : memref<1600x128x128xf32, #tpu.memory_space<hbm>> -> memref<1x128x128xf32, #tpu.memory_space<hbm>>
      %dma_start3A_264 = tpu.memref_squeeze %dma_start3A_263 : memref<1x128x128xf32, #tpu.memory_space<hbm>> -> memref<128x128xf32, #tpu.memory_space<hbm>>
      %dma_start3A_265 = arith.constant 0 : i32
      %dma_start3A_266 = arith.constant 0 : i32
      %dma_start3A_267 = tpu.memref_slice %arg4[%add3A_255, %dma_start3A_265, %dma_start3A_266] : memref<1600x128x128xf32, #tpu.memory_space<hbm>> -> memref<1x128x128xf32, #tpu.memory_space<hbm>>
      %dma_start3A_268 = tpu.memref_squeeze %dma_start3A_267 : memref<1x128x128xf32, #tpu.memory_space<hbm>> -> memref<128x128xf32, #tpu.memory_space<hbm>>
      %dma_start3A_269 = arith.constant 0 : i32
      %dma_start3A_270 = arith.constant 0 : i32
      %dma_start3A_271 = tpu.memref_slice %arg6[%dma_start3A_256, %dma_start3A_269, %dma_start3A_270] : memref<5x128x128xf32, #tpu.memory_space<vmem>> -> memref<1x128x128xf32, #tpu.memory_space<vmem>>
      %dma_start3A_272 = tpu.memref_squeeze %dma_start3A_271 : memref<1x128x128xf32, #tpu.memory_space<vmem>> -> memref<128x128xf32, #tpu.memory_space<vmem>>
      tpu.enqueue_dma source(%dma_start3A_272 : memref<128x128xf32, #tpu.memory_space<vmem>>) target(%dma_start3A_268 : memref<128x128xf32, #tpu.memory_space<hbm>>) target_semaphore(%arg14 : memref<!tpu.dma_semaphore, #tpu.memory_space<semaphore_mem>>)
      %mul3A_273 = arith.constant 5 : i32
      %mul3A_274 = arith.muli %scan3A_149, %mul3A_273 : i32
      %add3A_275 = arith.constant 3 : i32
      %add3A_276 = arith.addi %mul3A_274, %add3A_275 : i32
      %add3A_277 = arith.constant 4 : i32
      %add3A_278 = arith.addi %add3A_276, %add3A_277 : i32
      %lt3A_279 = arith.constant 50 : i32
      %lt3A_280 = arith.cmpi slt, %add3A_278, %lt3A_279 : i32
      %convert_element_type3A_281 = arith.extui %lt3A_280 : i1 to i32
      %cond3A_282 = arith.constant 0 : i32
      %cond3A_283 = arith.cmpi ne, %convert_element_type3A_281, %cond3A_282 : i32
      scf.if %cond3A_283 {
        %add3A_357 = arith.constant 4 : i32
        %add3A_358 = arith.addi %add3A_276, %add3A_357 : i32
        %sub3A = arith.constant 5 : i32
        %sub3A_359 = arith.subi %add3A_358, %sub3A : i32
        %ge3A = arith.constant 0 : i32
        %ge3A_360 = arith.cmpi sge, %sub3A_359, %ge3A : i32
        %convert_element_type3A_361 = arith.extui %ge3A_360 : i1 to i32
        %cond3A_362 = arith.constant 0 : i32
        %cond3A_363 = arith.cmpi ne, %convert_element_type3A_361, %cond3A_362 : i32
        scf.if %cond3A_363 {
          %add3A_377 = arith.constant 4 : i32
          %add3A_378 = arith.addi %add3A_276, %add3A_377 : i32
          %sub3A_379 = arith.constant 5 : i32
          %sub3A_380 = arith.subi %add3A_378, %sub3A_379 : i32
          %mul3A_381 = arith.constant 32 : i32
          %mul3A_382 = arith.muli %sub3A_380, %mul3A_381 : i32
          %add3A_383 = arith.addi %mul3A_382, %add3A : i32
          %dma_wait3A_384 = arith.constant 2 : i32
          %dma_wait3A_385 = arith.constant 0 : i32
          %dma_wait3A_386 = arith.constant 0 : i32
          %dma_wait3A_387 = tpu.memref_slice %arg6[%dma_wait3A_384, %dma_wait3A_385, %dma_wait3A_386] : memref<5x128x128xf32, #tpu.memory_space<vmem>> -> memref<1x128x128xf32, #tpu.memory_space<vmem>>
          %dma_wait3A_388 = tpu.memref_squeeze %dma_wait3A_387 : memref<1x128x128xf32, #tpu.memory_space<vmem>> -> memref<128x128xf32, #tpu.memory_space<vmem>>
          %dma_wait3A_389 = arith.constant 0 : i32
          %dma_wait3A_390 = arith.constant 0 : i32
          %dma_wait3A_391 = tpu.memref_slice %arg4[%add3A_383, %dma_wait3A_389, %dma_wait3A_390] : memref<1600x128x128xf32, #tpu.memory_space<hbm>> -> memref<1x128x128xf32, #tpu.memory_space<hbm>>
          %dma_wait3A_392 = tpu.memref_squeeze %dma_wait3A_391 : memref<1x128x128xf32, #tpu.memory_space<hbm>> -> memref<128x128xf32, #tpu.memory_space<hbm>>
          %dma_wait3A_393 = arith.constant 0 : i32
          %dma_wait3A_394 = arith.constant 0 : i32
          %dma_wait3A_395 = tpu.memref_slice %arg4[%add3A_383, %dma_wait3A_393, %dma_wait3A_394] : memref<1600x128x128xf32, #tpu.memory_space<hbm>> -> memref<1x128x128xf32, #tpu.memory_space<hbm>>
          %dma_wait3A_396 = tpu.memref_squeeze %dma_wait3A_395 : memref<1x128x128xf32, #tpu.memory_space<hbm>> -> memref<128x128xf32, #tpu.memory_space<hbm>>
          %dma_wait3A_397 = arith.constant 0 : i32
          %dma_wait3A_398 = arith.constant 0 : i32
          %dma_wait3A_399 = tpu.memref_slice %arg6[%dma_wait3A_384, %dma_wait3A_397, %dma_wait3A_398] : memref<5x128x128xf32, #tpu.memory_space<vmem>> -> memref<1x128x128xf32, #tpu.memory_space<vmem>>
          %dma_wait3A_400 = tpu.memref_squeeze %dma_wait3A_399 : memref<1x128x128xf32, #tpu.memory_space<vmem>> -> memref<128x128xf32, #tpu.memory_space<vmem>>
          tpu.wait_dma2 semaphore(%arg14 : memref<!tpu.dma_semaphore, #tpu.memory_space<semaphore_mem>>) src(%dma_wait3A_400 : memref<128x128xf32, #tpu.memory_space<vmem>>) dst(%dma_wait3A_396 : memref<128x128xf32, #tpu.memory_space<hbm>>)
        } else {
        }
        %add3A_364 = arith.constant 4 : i32
        %add3A_365 = arith.addi %add3A_276, %add3A_364 : i32
        %dma_start3A_366 = arith.constant 2 : i32
        %dma_start3A_367 = arith.constant 0 : i32
        %dma_start3A_368 = arith.constant 0 : i32
        %dma_start3A_369 = tpu.memref_slice %arg6[%dma_start3A_366, %dma_start3A_367, %dma_start3A_368] : memref<5x128x128xf32, #tpu.memory_space<vmem>> -> memref<1x128x128xf32, #tpu.memory_space<vmem>>
        %dma_start3A_370 = tpu.memref_squeeze %dma_start3A_369 : memref<1x128x128xf32, #tpu.memory_space<vmem>> -> memref<128x128xf32, #tpu.memory_space<vmem>>
        %dma_start3A_371 = arith.constant 0 : i32
        %dma_start3A_372 = tpu.memref_slice %arg5[%add3A_365, %dma_start3A_371] : memref<50x128xi32, #tpu.memory_space<vmem>> -> memref<1x128xi32, #tpu.memory_space<vmem>>
        %dma_start3A_373 = tpu.memref_squeeze %dma_start3A_372 : memref<1x128xi32, #tpu.memory_space<vmem>> -> memref<128xi32, #tpu.memory_space<vmem>>
        %dma_start3A_374 = arith.constant 0 : i32
        %dma_start3A_375 = arith.constant 0 : i32
        %dma_start3A_376 = tpu.memref_slice %arg2[%dma_start3A_374, %dma_start3A_375] : memref<100000x128xf32, #tpu.memory_space<hbm>> -> memref<100000x128xf32, #tpu.memory_space<hbm>>
        tpu.enqueue_indirect_dma source(%dma_start3A_376 : memref<100000x128xf32, #tpu.memory_space<hbm>>) target(%dma_start3A_370 : memref<128x128xf32, #tpu.memory_space<vmem>>) offsets(%dma_start3A_373 : memref<128xi32, #tpu.memory_space<vmem>>) semaphore(%arg9 : memref<!tpu.dma_semaphore, #tpu.memory_space<semaphore_mem>>)
      } else {
      }
      %dma_wait3A_284 = arith.constant 3 : i32
      %dma_wait3A_285 = arith.constant 0 : i32
      %dma_wait3A_286 = arith.constant 0 : i32
      %dma_wait3A_287 = tpu.memref_slice %arg6[%dma_wait3A_284, %dma_wait3A_285, %dma_wait3A_286] : memref<5x128x128xf32, #tpu.memory_space<vmem>> -> memref<1x128x128xf32, #tpu.memory_space<vmem>>
      %dma_wait3A_288 = tpu.memref_squeeze %dma_wait3A_287 : memref<1x128x128xf32, #tpu.memory_space<vmem>> -> memref<128x128xf32, #tpu.memory_space<vmem>>
      %dma_wait3A_289 = arith.constant 0 : i32
      %dma_wait3A_290 = tpu.memref_slice %arg5[%add3A_276, %dma_wait3A_289] : memref<50x128xi32, #tpu.memory_space<vmem>> -> memref<1x128xi32, #tpu.memory_space<vmem>>
      %dma_wait3A_291 = tpu.memref_squeeze %dma_wait3A_290 : memref<1x128xi32, #tpu.memory_space<vmem>> -> memref<128xi32, #tpu.memory_space<vmem>>
      %dma_wait3A_292 = arith.constant 0 : i32
      %dma_wait3A_293 = arith.constant 0 : i32
      %dma_wait3A_294 = tpu.memref_slice %arg2[%dma_wait3A_292, %dma_wait3A_293] : memref<100000x128xf32, #tpu.memory_space<hbm>> -> memref<100000x128xf32, #tpu.memory_space<hbm>>
      tpu.wait_indirect_dma semaphore(%arg10 : memref<!tpu.dma_semaphore, #tpu.memory_space<semaphore_mem>>) src(%dma_wait3A_294 : memref<100000x128xf32, #tpu.memory_space<hbm>>) dst(%dma_wait3A_288 : memref<128x128xf32, #tpu.memory_space<vmem>>)
      %mul3A_295 = arith.constant 32 : i32
      %mul3A_296 = arith.muli %add3A_276, %mul3A_295 : i32
      %add3A_297 = arith.addi %mul3A_296, %add3A : i32
      %dma_start3A_298 = arith.constant 3 : i32
      %dma_start3A_299 = arith.constant 0 : i32
      %dma_start3A_300 = arith.constant 0 : i32
      %dma_start3A_301 = tpu.memref_slice %arg6[%dma_start3A_298, %dma_start3A_299, %dma_start3A_300] : memref<5x128x128xf32, #tpu.memory_space<vmem>> -> memref<1x128x128xf32, #tpu.memory_space<vmem>>
      %dma_start3A_302 = tpu.memref_squeeze %dma_start3A_301 : memref<1x128x128xf32, #tpu.memory_space<vmem>> -> memref<128x128xf32, #tpu.memory_space<vmem>>
      %dma_start3A_303 = arith.constant 0 : i32
      %dma_start3A_304 = arith.constant 0 : i32
      %dma_start3A_305 = tpu.memref_slice %arg4[%add3A_297, %dma_start3A_303, %dma_start3A_304] : memref<1600x128x128xf32, #tpu.memory_space<hbm>> -> memref<1x128x128xf32, #tpu.memory_space<hbm>>
      %dma_start3A_306 = tpu.memref_squeeze %dma_start3A_305 : memref<1x128x128xf32, #tpu.memory_space<hbm>> -> memref<128x128xf32, #tpu.memory_space<hbm>>
      %dma_start3A_307 = arith.constant 0 : i32
      %dma_start3A_308 = arith.constant 0 : i32
      %dma_start3A_309 = tpu.memref_slice %arg4[%add3A_297, %dma_start3A_307, %dma_start3A_308] : memref<1600x128x128xf32, #tpu.memory_space<hbm>> -> memref<1x128x128xf32, #tpu.memory_space<hbm>>
      %dma_start3A_310 = tpu.memref_squeeze %dma_start3A_309 : memref<1x128x128xf32, #tpu.memory_space<hbm>> -> memref<128x128xf32, #tpu.memory_space<hbm>>
      %dma_start3A_311 = arith.constant 0 : i32
      %dma_start3A_312 = arith.constant 0 : i32
      %dma_start3A_313 = tpu.memref_slice %arg6[%dma_start3A_298, %dma_start3A_311, %dma_start3A_312] : memref<5x128x128xf32, #tpu.memory_space<vmem>> -> memref<1x128x128xf32, #tpu.memory_space<vmem>>
      %dma_start3A_314 = tpu.memref_squeeze %dma_start3A_313 : memref<1x128x128xf32, #tpu.memory_space<vmem>> -> memref<128x128xf32, #tpu.memory_space<vmem>>
      tpu.enqueue_dma source(%dma_start3A_314 : memref<128x128xf32, #tpu.memory_space<vmem>>) target(%dma_start3A_310 : memref<128x128xf32, #tpu.memory_space<hbm>>) target_semaphore(%arg15 : memref<!tpu.dma_semaphore, #tpu.memory_space<semaphore_mem>>)
      %mul3A_315 = arith.constant 5 : i32
      %mul3A_316 = arith.muli %scan3A_149, %mul3A_315 : i32
      %add3A_317 = arith.constant 4 : i32
      %add3A_318 = arith.addi %mul3A_316, %add3A_317 : i32
      %add3A_319 = arith.constant 4 : i32
      %add3A_320 = arith.addi %add3A_318, %add3A_319 : i32
      %lt3A_321 = arith.constant 50 : i32
      %lt3A_322 = arith.cmpi slt, %add3A_320, %lt3A_321 : i32
      %convert_element_type3A_323 = arith.extui %lt3A_322 : i1 to i32
      %cond3A_324 = arith.constant 0 : i32
      %cond3A_325 = arith.cmpi ne, %convert_element_type3A_323, %cond3A_324 : i32
      scf.if %cond3A_325 {
        %add3A_357 = arith.constant 4 : i32
        %add3A_358 = arith.addi %add3A_318, %add3A_357 : i32
        %sub3A = arith.constant 5 : i32
        %sub3A_359 = arith.subi %add3A_358, %sub3A : i32
        %ge3A = arith.constant 0 : i32
        %ge3A_360 = arith.cmpi sge, %sub3A_359, %ge3A : i32
        %convert_element_type3A_361 = arith.extui %ge3A_360 : i1 to i32
        %cond3A_362 = arith.constant 0 : i32
        %cond3A_363 = arith.cmpi ne, %convert_element_type3A_361, %cond3A_362 : i32
        scf.if %cond3A_363 {
          %add3A_377 = arith.constant 4 : i32
          %add3A_378 = arith.addi %add3A_318, %add3A_377 : i32
          %sub3A_379 = arith.constant 5 : i32
          %sub3A_380 = arith.subi %add3A_378, %sub3A_379 : i32
          %mul3A_381 = arith.constant 32 : i32
          %mul3A_382 = arith.muli %sub3A_380, %mul3A_381 : i32
          %add3A_383 = arith.addi %mul3A_382, %add3A : i32
          %dma_wait3A_384 = arith.constant 3 : i32
          %dma_wait3A_385 = arith.constant 0 : i32
          %dma_wait3A_386 = arith.constant 0 : i32
          %dma_wait3A_387 = tpu.memref_slice %arg6[%dma_wait3A_384, %dma_wait3A_385, %dma_wait3A_386] : memref<5x128x128xf32, #tpu.memory_space<vmem>> -> memref<1x128x128xf32, #tpu.memory_space<vmem>>
          %dma_wait3A_388 = tpu.memref_squeeze %dma_wait3A_387 : memref<1x128x128xf32, #tpu.memory_space<vmem>> -> memref<128x128xf32, #tpu.memory_space<vmem>>
          %dma_wait3A_389 = arith.constant 0 : i32
          %dma_wait3A_390 = arith.constant 0 : i32
          %dma_wait3A_391 = tpu.memref_slice %arg4[%add3A_383, %dma_wait3A_389, %dma_wait3A_390] : memref<1600x128x128xf32, #tpu.memory_space<hbm>> -> memref<1x128x128xf32, #tpu.memory_space<hbm>>
          %dma_wait3A_392 = tpu.memref_squeeze %dma_wait3A_391 : memref<1x128x128xf32, #tpu.memory_space<hbm>> -> memref<128x128xf32, #tpu.memory_space<hbm>>
          %dma_wait3A_393 = arith.constant 0 : i32
          %dma_wait3A_394 = arith.constant 0 : i32
          %dma_wait3A_395 = tpu.memref_slice %arg4[%add3A_383, %dma_wait3A_393, %dma_wait3A_394] : memref<1600x128x128xf32, #tpu.memory_space<hbm>> -> memref<1x128x128xf32, #tpu.memory_space<hbm>>
          %dma_wait3A_396 = tpu.memref_squeeze %dma_wait3A_395 : memref<1x128x128xf32, #tpu.memory_space<hbm>> -> memref<128x128xf32, #tpu.memory_space<hbm>>
          %dma_wait3A_397 = arith.constant 0 : i32
          %dma_wait3A_398 = arith.constant 0 : i32
          %dma_wait3A_399 = tpu.memref_slice %arg6[%dma_wait3A_384, %dma_wait3A_397, %dma_wait3A_398] : memref<5x128x128xf32, #tpu.memory_space<vmem>> -> memref<1x128x128xf32, #tpu.memory_space<vmem>>
          %dma_wait3A_400 = tpu.memref_squeeze %dma_wait3A_399 : memref<1x128x128xf32, #tpu.memory_space<vmem>> -> memref<128x128xf32, #tpu.memory_space<vmem>>
          tpu.wait_dma2 semaphore(%arg15 : memref<!tpu.dma_semaphore, #tpu.memory_space<semaphore_mem>>) src(%dma_wait3A_400 : memref<128x128xf32, #tpu.memory_space<vmem>>) dst(%dma_wait3A_396 : memref<128x128xf32, #tpu.memory_space<hbm>>)
        } else {
        }
        %add3A_364 = arith.constant 4 : i32
        %add3A_365 = arith.addi %add3A_318, %add3A_364 : i32
        %dma_start3A_366 = arith.constant 3 : i32
        %dma_start3A_367 = arith.constant 0 : i32
        %dma_start3A_368 = arith.constant 0 : i32
        %dma_start3A_369 = tpu.memref_slice %arg6[%dma_start3A_366, %dma_start3A_367, %dma_start3A_368] : memref<5x128x128xf32, #tpu.memory_space<vmem>> -> memref<1x128x128xf32, #tpu.memory_space<vmem>>
        %dma_start3A_370 = tpu.memref_squeeze %dma_start3A_369 : memref<1x128x128xf32, #tpu.memory_space<vmem>> -> memref<128x128xf32, #tpu.memory_space<vmem>>
        %dma_start3A_371 = arith.constant 0 : i32
        %dma_start3A_372 = tpu.memref_slice %arg5[%add3A_365, %dma_start3A_371] : memref<50x128xi32, #tpu.memory_space<vmem>> -> memref<1x128xi32, #tpu.memory_space<vmem>>
        %dma_start3A_373 = tpu.memref_squeeze %dma_start3A_372 : memref<1x128xi32, #tpu.memory_space<vmem>> -> memref<128xi32, #tpu.memory_space<vmem>>
        %dma_start3A_374 = arith.constant 0 : i32
        %dma_start3A_375 = arith.constant 0 : i32
        %dma_start3A_376 = tpu.memref_slice %arg2[%dma_start3A_374, %dma_start3A_375] : memref<100000x128xf32, #tpu.memory_space<hbm>> -> memref<100000x128xf32, #tpu.memory_space<hbm>>
        tpu.enqueue_indirect_dma source(%dma_start3A_376 : memref<100000x128xf32, #tpu.memory_space<hbm>>) target(%dma_start3A_370 : memref<128x128xf32, #tpu.memory_space<vmem>>) offsets(%dma_start3A_373 : memref<128xi32, #tpu.memory_space<vmem>>) semaphore(%arg10 : memref<!tpu.dma_semaphore, #tpu.memory_space<semaphore_mem>>)
      } else {
      }
      %dma_wait3A_326 = arith.constant 4 : i32
      %dma_wait3A_327 = arith.constant 0 : i32
      %dma_wait3A_328 = arith.constant 0 : i32
      %dma_wait3A_329 = tpu.memref_slice %arg6[%dma_wait3A_326, %dma_wait3A_327, %dma_wait3A_328] : memref<5x128x128xf32, #tpu.memory_space<vmem>> -> memref<1x128x128xf32, #tpu.memory_space<vmem>>
      %dma_wait3A_330 = tpu.memref_squeeze %dma_wait3A_329 : memref<1x128x128xf32, #tpu.memory_space<vmem>> -> memref<128x128xf32, #tpu.memory_space<vmem>>
      %dma_wait3A_331 = arith.constant 0 : i32
      %dma_wait3A_332 = tpu.memref_slice %arg5[%add3A_318, %dma_wait3A_331] : memref<50x128xi32, #tpu.memory_space<vmem>> -> memref<1x128xi32, #tpu.memory_space<vmem>>
      %dma_wait3A_333 = tpu.memref_squeeze %dma_wait3A_332 : memref<1x128xi32, #tpu.memory_space<vmem>> -> memref<128xi32, #tpu.memory_space<vmem>>
      %dma_wait3A_334 = arith.constant 0 : i32
      %dma_wait3A_335 = arith.constant 0 : i32
      %dma_wait3A_336 = tpu.memref_slice %arg2[%dma_wait3A_334, %dma_wait3A_335] : memref<100000x128xf32, #tpu.memory_space<hbm>> -> memref<100000x128xf32, #tpu.memory_space<hbm>>
      tpu.wait_indirect_dma semaphore(%arg11 : memref<!tpu.dma_semaphore, #tpu.memory_space<semaphore_mem>>) src(%dma_wait3A_336 : memref<100000x128xf32, #tpu.memory_space<hbm>>) dst(%dma_wait3A_330 : memref<128x128xf32, #tpu.memory_space<vmem>>)
      %mul3A_337 = arith.constant 32 : i32
      %mul3A_338 = arith.muli %add3A_318, %mul3A_337 : i32
      %add3A_339 = arith.addi %mul3A_338, %add3A : i32
      %dma_start3A_340 = arith.constant 4 : i32
      %dma_start3A_341 = arith.constant 0 : i32
      %dma_start3A_342 = arith.constant 0 : i32
      %dma_start3A_343 = tpu.memref_slice %arg6[%dma_start3A_340, %dma_start3A_341, %dma_start3A_342] : memref<5x128x128xf32, #tpu.memory_space<vmem>> -> memref<1x128x128xf32, #tpu.memory_space<vmem>>
      %dma_start3A_344 = tpu.memref_squeeze %dma_start3A_343 : memref<1x128x128xf32, #tpu.memory_space<vmem>> -> memref<128x128xf32, #tpu.memory_space<vmem>>
      %dma_start3A_345 = arith.constant 0 : i32
      %dma_start3A_346 = arith.constant 0 : i32
      %dma_start3A_347 = tpu.memref_slice %arg4[%add3A_339, %dma_start3A_345, %dma_start3A_346] : memref<1600x128x128xf32, #tpu.memory_space<hbm>> -> memref<1x128x128xf32, #tpu.memory_space<hbm>>
      %dma_start3A_348 = tpu.memref_squeeze %dma_start3A_347 : memref<1x128x128xf32, #tpu.memory_space<hbm>> -> memref<128x128xf32, #tpu.memory_space<hbm>>
      %dma_start3A_349 = arith.constant 0 : i32
      %dma_start3A_350 = arith.constant 0 : i32
      %dma_start3A_351 = tpu.memref_slice %arg4[%add3A_339, %dma_start3A_349, %dma_start3A_350] : memref<1600x128x128xf32, #tpu.memory_space<hbm>> -> memref<1x128x128xf32, #tpu.memory_space<hbm>>
      %dma_start3A_352 = tpu.memref_squeeze %dma_start3A_351 : memref<1x128x128xf32, #tpu.memory_space<hbm>> -> memref<128x128xf32, #tpu.memory_space<hbm>>
      %dma_start3A_353 = arith.constant 0 : i32
      %dma_start3A_354 = arith.constant 0 : i32
      %dma_start3A_355 = tpu.memref_slice %arg6[%dma_start3A_340, %dma_start3A_353, %dma_start3A_354] : memref<5x128x128xf32, #tpu.memory_space<vmem>> -> memref<1x128x128xf32, #tpu.memory_space<vmem>>
      %dma_start3A_356 = tpu.memref_squeeze %dma_start3A_355 : memref<1x128x128xf32, #tpu.memory_space<vmem>> -> memref<128x128xf32, #tpu.memory_space<vmem>>
      tpu.enqueue_dma source(%dma_start3A_356 : memref<128x128xf32, #tpu.memory_space<vmem>>) target(%dma_start3A_352 : memref<128x128xf32, #tpu.memory_space<hbm>>) target_semaphore(%arg16 : memref<!tpu.dma_semaphore, #tpu.memory_space<semaphore_mem>>)
    }
    %scan3A_54 = arith.constant 10 : i32
    %add3A_55 = arith.constant 1440 : i32
    %add3A_56 = arith.addi %add3A_55, %add3A : i32
    %dma_wait3A = arith.constant 0 : i32
    %dma_wait3A_57 = arith.constant 0 : i32
    %dma_wait3A_58 = arith.constant 0 : i32
    %dma_wait3A_59 = tpu.memref_slice %arg6[%dma_wait3A, %dma_wait3A_57, %dma_wait3A_58] : memref<5x128x128xf32, #tpu.memory_space<vmem>> -> memref<1x128x128xf32, #tpu.memory_space<vmem>>
    %dma_wait3A_60 = tpu.memref_squeeze %dma_wait3A_59 : memref<1x128x128xf32, #tpu.memory_space<vmem>> -> memref<128x128xf32, #tpu.memory_space<vmem>>
    %dma_wait3A_61 = arith.constant 0 : i32
    %dma_wait3A_62 = arith.constant 0 : i32
    %dma_wait3A_63 = tpu.memref_slice %arg4[%add3A_56, %dma_wait3A_61, %dma_wait3A_62] : memref<1600x128x128xf32, #tpu.memory_space<hbm>> -> memref<1x128x128xf32, #tpu.memory_space<hbm>>
    %dma_wait3A_64 = tpu.memref_squeeze %dma_wait3A_63 : memref<1x128x128xf32, #tpu.memory_space<hbm>> -> memref<128x128xf32, #tpu.memory_space<hbm>>
    %dma_wait3A_65 = arith.constant 0 : i32
    %dma_wait3A_66 = arith.constant 0 : i32
    %dma_wait3A_67 = tpu.memref_slice %arg4[%add3A_56, %dma_wait3A_65, %dma_wait3A_66] : memref<1600x128x128xf32, #tpu.memory_space<hbm>> -> memref<1x128x128xf32, #tpu.memory_space<hbm>>
    %dma_wait3A_68 = tpu.memref_squeeze %dma_wait3A_67 : memref<1x128x128xf32, #tpu.memory_space<hbm>> -> memref<128x128xf32, #tpu.memory_space<hbm>>
    %dma_wait3A_69 = arith.constant 0 : i32
    %dma_wait3A_70 = arith.constant 0 : i32
    %dma_wait3A_71 = tpu.memref_slice %arg6[%dma_wait3A, %dma_wait3A_69, %dma_wait3A_70] : memref<5x128x128xf32, #tpu.memory_space<vmem>> -> memref<1x128x128xf32, #tpu.memory_space<vmem>>
    %dma_wait3A_72 = tpu.memref_squeeze %dma_wait3A_71 : memref<1x128x128xf32, #tpu.memory_space<vmem>> -> memref<128x128xf32, #tpu.memory_space<vmem>>
    tpu.wait_dma2 semaphore(%arg12 : memref<!tpu.dma_semaphore, #tpu.memory_space<semaphore_mem>>) src(%dma_wait3A_72 : memref<128x128xf32, #tpu.memory_space<vmem>>) dst(%dma_wait3A_68 : memref<128x128xf32, #tpu.memory_space<hbm>>)
    %add3A_73 = arith.constant 1472 : i32
    %add3A_74 = arith.addi %add3A_73, %add3A : i32
    %dma_wait3A_75 = arith.constant 1 : i32
    %dma_wait3A_76 = arith.constant 0 : i32
    %dma_wait3A_77 = arith.constant 0 : i32
    %dma_wait3A_78 = tpu.memref_slice %arg6[%dma_wait3A_75, %dma_wait3A_76, %dma_wait3A_77] : memref<5x128x128xf32, #tpu.memory_space<vmem>> -> memref<1x128x128xf32, #tpu.memory_space<vmem>>
    %dma_wait3A_79 = tpu.memref_squeeze %dma_wait3A_78 : memref<1x128x128xf32, #tpu.memory_space<vmem>> -> memref<128x128xf32, #tpu.memory_space<vmem>>
    %dma_wait3A_80 = arith.constant 0 : i32
    %dma_wait3A_81 = arith.constant 0 : i32
    %dma_wait3A_82 = tpu.memref_slice %arg4[%add3A_74, %dma_wait3A_80, %dma_wait3A_81] : memref<1600x128x128xf32, #tpu.memory_space<hbm>> -> memref<1x128x128xf32, #tpu.memory_space<hbm>>
    %dma_wait3A_83 = tpu.memref_squeeze %dma_wait3A_82 : memref<1x128x128xf32, #tpu.memory_space<hbm>> -> memref<128x128xf32, #tpu.memory_space<hbm>>
    %dma_wait3A_84 = arith.constant 0 : i32
    %dma_wait3A_85 = arith.constant 0 : i32
    %dma_wait3A_86 = tpu.memref_slice %arg4[%add3A_74, %dma_wait3A_84, %dma_wait3A_85] : memref<1600x128x128xf32, #tpu.memory_space<hbm>> -> memref<1x128x128xf32, #tpu.memory_space<hbm>>
    %dma_wait3A_87 = tpu.memref_squeeze %dma_wait3A_86 : memref<1x128x128xf32, #tpu.memory_space<hbm>> -> memref<128x128xf32, #tpu.memory_space<hbm>>
    %dma_wait3A_88 = arith.constant 0 : i32
    %dma_wait3A_89 = arith.constant 0 : i32
    %dma_wait3A_90 = tpu.memref_slice %arg6[%dma_wait3A_75, %dma_wait3A_88, %dma_wait3A_89] : memref<5x128x128xf32, #tpu.memory_space<vmem>> -> memref<1x128x128xf32, #tpu.memory_space<vmem>>
    %dma_wait3A_91 = tpu.memref_squeeze %dma_wait3A_90 : memref<1x128x128xf32, #tpu.memory_space<vmem>> -> memref<128x128xf32, #tpu.memory_space<vmem>>
    tpu.wait_dma2 semaphore(%arg13 : memref<!tpu.dma_semaphore, #tpu.memory_space<semaphore_mem>>) src(%dma_wait3A_91 : memref<128x128xf32, #tpu.memory_space<vmem>>) dst(%dma_wait3A_87 : memref<128x128xf32, #tpu.memory_space<hbm>>)
    %add3A_92 = arith.constant 1504 : i32
    %add3A_93 = arith.addi %add3A_92, %add3A : i32
    %dma_wait3A_94 = arith.constant 2 : i32
    %dma_wait3A_95 = arith.constant 0 : i32
    %dma_wait3A_96 = arith.constant 0 : i32
    %dma_wait3A_97 = tpu.memref_slice %arg6[%dma_wait3A_94, %dma_wait3A_95, %dma_wait3A_96] : memref<5x128x128xf32, #tpu.memory_space<vmem>> -> memref<1x128x128xf32, #tpu.memory_space<vmem>>
    %dma_wait3A_98 = tpu.memref_squeeze %dma_wait3A_97 : memref<1x128x128xf32, #tpu.memory_space<vmem>> -> memref<128x128xf32, #tpu.memory_space<vmem>>
    %dma_wait3A_99 = arith.constant 0 : i32
    %dma_wait3A_100 = arith.constant 0 : i32
    %dma_wait3A_101 = tpu.memref_slice %arg4[%add3A_93, %dma_wait3A_99, %dma_wait3A_100] : memref<1600x128x128xf32, #tpu.memory_space<hbm>> -> memref<1x128x128xf32, #tpu.memory_space<hbm>>
    %dma_wait3A_102 = tpu.memref_squeeze %dma_wait3A_101 : memref<1x128x128xf32, #tpu.memory_space<hbm>> -> memref<128x128xf32, #tpu.memory_space<hbm>>
    %dma_wait3A_103 = arith.constant 0 : i32
    %dma_wait3A_104 = arith.constant 0 : i32
    %dma_wait3A_105 = tpu.memref_slice %arg4[%add3A_93, %dma_wait3A_103, %dma_wait3A_104] : memref<1600x128x128xf32, #tpu.memory_space<hbm>> -> memref<1x128x128xf32, #tpu.memory_space<hbm>>
    %dma_wait3A_106 = tpu.memref_squeeze %dma_wait3A_105 : memref<1x128x128xf32, #tpu.memory_space<hbm>> -> memref<128x128xf32, #tpu.memory_space<hbm>>
    %dma_wait3A_107 = arith.constant 0 : i32
    %dma_wait3A_108 = arith.constant 0 : i32
    %dma_wait3A_109 = tpu.memref_slice %arg6[%dma_wait3A_94, %dma_wait3A_107, %dma_wait3A_108] : memref<5x128x128xf32, #tpu.memory_space<vmem>> -> memref<1x128x128xf32, #tpu.memory_space<vmem>>
    %dma_wait3A_110 = tpu.memref_squeeze %dma_wait3A_109 : memref<1x128x128xf32, #tpu.memory_space<vmem>> -> memref<128x128xf32, #tpu.memory_space<vmem>>
    tpu.wait_dma2 semaphore(%arg14 : memref<!tpu.dma_semaphore, #tpu.memory_space<semaphore_mem>>) src(%dma_wait3A_110 : memref<128x128xf32, #tpu.memory_space<vmem>>) dst(%dma_wait3A_106 : memref<128x128xf32, #tpu.memory_space<hbm>>)
    %add3A_111 = arith.constant 1536 : i32
    %add3A_112 = arith.addi %add3A_111, %add3A : i32
    %dma_wait3A_113 = arith.constant 3 : i32
    %dma_wait3A_114 = arith.constant 0 : i32
    %dma_wait3A_115 = arith.constant 0 : i32
    %dma_wait3A_116 = tpu.memref_slice %arg6[%dma_wait3A_113, %dma_wait3A_114, %dma_wait3A_115] : memref<5x128x128xf32, #tpu.memory_space<vmem>> -> memref<1x128x128xf32, #tpu.memory_space<vmem>>
    %dma_wait3A_117 = tpu.memref_squeeze %dma_wait3A_116 : memref<1x128x128xf32, #tpu.memory_space<vmem>> -> memref<128x128xf32, #tpu.memory_space<vmem>>
    %dma_wait3A_118 = arith.constant 0 : i32
    %dma_wait3A_119 = arith.constant 0 : i32
    %dma_wait3A_120 = tpu.memref_slice %arg4[%add3A_112, %dma_wait3A_118, %dma_wait3A_119] : memref<1600x128x128xf32, #tpu.memory_space<hbm>> -> memref<1x128x128xf32, #tpu.memory_space<hbm>>
    %dma_wait3A_121 = tpu.memref_squeeze %dma_wait3A_120 : memref<1x128x128xf32, #tpu.memory_space<hbm>> -> memref<128x128xf32, #tpu.memory_space<hbm>>
    %dma_wait3A_122 = arith.constant 0 : i32
    %dma_wait3A_123 = arith.constant 0 : i32
    %dma_wait3A_124 = tpu.memref_slice %arg4[%add3A_112, %dma_wait3A_122, %dma_wait3A_123] : memref<1600x128x128xf32, #tpu.memory_space<hbm>> -> memref<1x128x128xf32, #tpu.memory_space<hbm>>
    %dma_wait3A_125 = tpu.memref_squeeze %dma_wait3A_124 : memref<1x128x128xf32, #tpu.memory_space<hbm>> -> memref<128x128xf32, #tpu.memory_space<hbm>>
    %dma_wait3A_126 = arith.constant 0 : i32
    %dma_wait3A_127 = arith.constant 0 : i32
    %dma_wait3A_128 = tpu.memref_slice %arg6[%dma_wait3A_113, %dma_wait3A_126, %dma_wait3A_127] : memref<5x128x128xf32, #tpu.memory_space<vmem>> -> memref<1x128x128xf32, #tpu.memory_space<vmem>>
    %dma_wait3A_129 = tpu.memref_squeeze %dma_wait3A_128 : memref<1x128x128xf32, #tpu.memory_space<vmem>> -> memref<128x128xf32, #tpu.memory_space<vmem>>
    tpu.wait_dma2 semaphore(%arg15 : memref<!tpu.dma_semaphore, #tpu.memory_space<semaphore_mem>>) src(%dma_wait3A_129 : memref<128x128xf32, #tpu.memory_space<vmem>>) dst(%dma_wait3A_125 : memref<128x128xf32, #tpu.memory_space<hbm>>)
    %add3A_130 = arith.constant 1568 : i32
    %add3A_131 = arith.addi %add3A_130, %add3A : i32
    %dma_wait3A_132 = arith.constant 4 : i32
    %dma_wait3A_133 = arith.constant 0 : i32
    %dma_wait3A_134 = arith.constant 0 : i32
    %dma_wait3A_135 = tpu.memref_slice %arg6[%dma_wait3A_132, %dma_wait3A_133, %dma_wait3A_134] : memref<5x128x128xf32, #tpu.memory_space<vmem>> -> memref<1x128x128xf32, #tpu.memory_space<vmem>>
    %dma_wait3A_136 = tpu.memref_squeeze %dma_wait3A_135 : memref<1x128x128xf32, #tpu.memory_space<vmem>> -> memref<128x128xf32, #tpu.memory_space<vmem>>
    %dma_wait3A_137 = arith.constant 0 : i32
    %dma_wait3A_138 = arith.constant 0 : i32
    %dma_wait3A_139 = tpu.memref_slice %arg4[%add3A_131, %dma_wait3A_137, %dma_wait3A_138] : memref<1600x128x128xf32, #tpu.memory_space<hbm>> -> memref<1x128x128xf32, #tpu.memory_space<hbm>>
    %dma_wait3A_140 = tpu.memref_squeeze %dma_wait3A_139 : memref<1x128x128xf32, #tpu.memory_space<hbm>> -> memref<128x128xf32, #tpu.memory_space<hbm>>
    %dma_wait3A_141 = arith.constant 0 : i32
    %dma_wait3A_142 = arith.constant 0 : i32
    %dma_wait3A_143 = tpu.memref_slice %arg4[%add3A_131, %dma_wait3A_141, %dma_wait3A_142] : memref<1600x128x128xf32, #tpu.memory_space<hbm>> -> memref<1x128x128xf32, #tpu.memory_space<hbm>>
    %dma_wait3A_144 = tpu.memref_squeeze %dma_wait3A_143 : memref<1x128x128xf32, #tpu.memory_space<hbm>> -> memref<128x128xf32, #tpu.memory_space<hbm>>
    %dma_wait3A_145 = arith.constant 0 : i32
    %dma_wait3A_146 = arith.constant 0 : i32
    %dma_wait3A_147 = tpu.memref_slice %arg6[%dma_wait3A_132, %dma_wait3A_145, %dma_wait3A_146] : memref<5x128x128xf32, #tpu.memory_space<vmem>> -> memref<1x128x128xf32, #tpu.memory_space<vmem>>
    %dma_wait3A_148 = tpu.memref_squeeze %dma_wait3A_147 : memref<1x128x128xf32, #tpu.memory_space<vmem>> -> memref<128x128xf32, #tpu.memory_space<vmem>>
    tpu.wait_dma2 semaphore(%arg16 : memref<!tpu.dma_semaphore, #tpu.memory_space<semaphore_mem>>) src(%dma_wait3A_148 : memref<128x128xf32, #tpu.memory_space<vmem>>) dst(%dma_wait3A_144 : memref<128x128xf32, #tpu.memory_space<hbm>>)
    return
  }
}

</mosaic_0001>

<sc_bundles>
// kernel: kernel.3.cloned.1.call-start
scs
__scs_entry_jumppad:
0x0: {  	(pc) =	sbr.rel $0x88, $3  }
0x1: {  	(tag) =	ssettag $0x0;
	lr =	simm.s32 $0x1  }
0x2: {  	[smem:$0x3F9F] =	sst lr;
	_ =	strace $0xD0000000  }
0x3: {  	_ = 	snop  }
0x4: {  	_ = 	snop  }
0x5: {  	_ = 	snop  }
0x6: {  	_ = 	snop  }
0x7: {  	_ = 	snop  }
__scs_overlays_trampoline_lowered:
0x8: {  	[smem:$0x3FAE] =	sst s0  }
0x9: {  	[smem:$0x3FAF] =	sst s1  }
0xa: {  	[smem:$0x3FB0] =	sst s2  }
0xb: {  	[smem:$0x3FB1] =	sst s3  }
0xc: {  	[smem:$0x3FB2] =	sst s4  }
0xd: {  	[smem:$0x3FB3] =	sst s5  }
0xe: {  	[smem:$0x3FB4] =	sst s6  }
0xf: {  	[smem:$0x3FB5] =	sst s7  }
0x10: {  	[smem:$0x3FB6] =	sst s8  }
0x11: {  	[smem:$0x3FB7] =	sst s9;
	s0 =	simm.s32 @!p0 $0x0  }
0x12: {  	s1 =	sld [smem:$0x3F9D];
	s0 =	simm.s32 @p0 $0x1  }
0x13: {  	[smem:$0x3FB8] =	sst s0;
	s0 =	simm.s32 @!p1 $0x0  }
0x14: {  	s2 =	sld [smem:$0x3F9C];
	s0 =	simm.s32 @p1 $0x1  }
0x15: {  	[smem:$0x3FB9] =	sst s0;
	s0 =	simm.s32 @!p2 $0x0  }
0x16: {  	s3 =	sld [smem:$0x3FDB];
	s0 =	simm.s32 @p2 $0x1  }
0x17: {  	s4 =	simm.s32 $0x1BF5;
	[smem:$0x3FBB] =	sst s0  }
0x18: {  	s0 =	sld [smem:$0x3F9E];
	_ =	swait.ge [sflag:s4], $0x0  }
0x19: {  	s7 =	sld [smem:$0x3F9F]  }
0x1a: {  	s8 =	sadd.s32 $0xFFFFE003, lr  }
0x1b: {  	s9 =	sadd.s32 $0xFFFFFEF7, lr;
	s5 =	simm.s32 $0xFFFFFFFF;
	p2 =	slt.u32 s8, $0xFFFFF086  }
0x1c: {  	p1 =	slt.u32 s9, $0xF7A;
	s5 =	simm.s32 @!p2 $0x0  }
0x1d: {  	s5 =	simm.s32 @p1 $0x1;
	p0 =	seq.s32 s7, s2  }
0x1e: {  	s7 =	smul.u32 @!p0 $0xF7A, s2;
	p2 =	seq.s32 @!p0 s5, $0x0  }
0x1f: {  	s9 =	smul.u32 $0xF7A, s1;
	s8 =	simm.s32 @!p0 $0x1BF5;
	p2 =	por !p2, p0  }
0x20: {  	[sflag:s8] =	ssyncset.s32 @!p0 $0xFFFFF086;
	s6 =	sadd.s32 @!p0 s3, s7;
	s7 =	simm.s32 @!p0 $0x108  }
0x21: {  	s3 =	sadd.s32 s3, s9;
	s6 =	sadd.s32 @!p0 $0x88, s6;
	s7 =	simm.s32 @p2 $0x1082  }
0x22: {  	[simem:s7], [sflag:s8] =	dma.local @!p0 [hbm:s6], $0xF7A  }
0x23: {  	s9 =	sor.u32 $0xD0000000, s2;
	s6 =	simm.s32 $0x108;
	_ =	swait.ge @!p0 [sflag:s8], $0x0  }
0x24: {  	s3 =	sadd.s32 $0x88, s3;
	s6 =	simm.s32 @!p1 $0x1082;
	[sflag:s4] =	ssyncset.s32 $0xFFFFF086  }
0x25: {  	[simem:s6], [sflag:s4] =	dma.local [hbm:s3], $0xF7A  }
0x26: {  	[smem:$0x3F9F] =	sst s1;
	(tag) =	ssettag s2;
	_ =	strace s9  }
0x27: {  	s1 =	sld [smem:$0x3FAF]  }
0x28: {  	s2 =	sld [smem:$0x3FB0]  }
0x29: {  	s4 =	sld [smem:$0x3FB2]  }
0x2a: {  	p0 =	seq.s32 s5, $0x0;
	s5 =	sld [smem:$0x3FB3]  }
0x2b: {  	s6 =	sld [smem:$0x3FB4]  }
0x2c: {  	s7 =	sld [smem:$0x3FB5]  }
0x2d: {  	s3 =	simm.s32 $0x108;
	s8 =	sld [smem:$0x3FB6]  }
0x2e: {  	s3 =	simm.s32 @!p0 $0x1082;
	s9 =	sld [smem:$0x3FB7]  }
0x2f: {  	lr =	sadd.s32 s0, s3;
	s0 =	sld [smem:$0x3FAE]  }
0x30: {  	s3 =	sld [smem:$0x3FB1]  }
0x31: {  	[smem:$0x3FBA] =	sst s10  }
0x32: {  	s10 =	sld [smem:$0x3FB8];
	_ =	sdelay $0x3  }
0x33: {  	p0 =	seq.s32 s10, $0x1;
	s10 =	sld [smem:$0x3FBA];
	_ =	sdelay $0x3  }
0x34: {  	[smem:$0x3FBA] =	sst s10  }
0x35: {  	s10 =	sld [smem:$0x3FB9];
	_ =	sdelay $0x3  }
0x36: {  	p1 =	seq.s32 s10, $0x1;
	s10 =	sld [smem:$0x3FBA];
	_ =	sdelay $0x3  }
0x37: {  	[smem:$0x3FBA] =	sst s10  }
0x38: {  	s10 =	sld [smem:$0x3FBB]  }
0x39: {  	_ = 	snop;
	(pc) =	sbr.ind lr, $3  }
0x3a: {  	_ = 	snop  }
0x3b: {  	_ = 	snop  }
0x3c: {  	p2 =	seq.s32 s10, $0x1;
	s10 =	sld [smem:$0x3FBA]  }
0x3d: {  	_ =	shalt  }
0x3e: {  	_ =	shalt  }
0x3f: {  	_ =	shalt  }
0x40: {  	_ =	shalt  }
0x41: {  	_ =	shalt  }
0x42: {  	_ =	shalt  }
0x43: {  	_ =	shalt  }
0x44: {  	_ =	shalt  }
0x45: {  	_ =	shalt  }
0x46: {  	_ =	shalt  }
0x47: {  	_ =	shalt  }
0x48: {  	_ =	shalt  }
0x49: {  	_ =	shalt  }
0x4a: {  	_ =	shalt  }
0x4b: {  	_ =	shalt  }
0x4c: {  	_ =	shalt  }
0x4d: {  	_ =	shalt  }
0x4e: {  	_ =	shalt  }
0x4f: {  	_ =	shalt  }
0x50: {  	_ =	shalt  }
0x51: {  	_ =	shalt  }
0x52: {  	_ =	shalt  }
0x53: {  	_ =	shalt  }
0x54: {  	_ =	shalt  }
0x55: {  	_ =	shalt  }
0x56: {  	_ =	shalt  }
0x57: {  	_ =	shalt  }
0x58: {  	_ =	shalt  }
0x59: {  	_ =	shalt  }
0x5a: {  	_ =	shalt  }
0x5b: {  	_ =	shalt  }
0x5c: {  	_ =	shalt  }
0x5d: {  	_ =	shalt  }
0x5e: {  	_ =	shalt  }
0x5f: {  	_ =	shalt  }
0x60: {  	_ =	shalt  }
0x61: {  	_ =	shalt  }
0x62: {  	_ =	shalt  }
0x63: {  	_ =	shalt  }
0x64: {  	_ =	shalt  }
0x65: {  	_ =	shalt  }
0x66: {  	_ =	shalt  }
0x67: {  	_ =	shalt  }
0x68: {  	_ =	shalt  }
0x69: {  	_ =	shalt  }
0x6a: {  	_ =	shalt  }
0x6b: {  	_ =	shalt  }
0x6c: {  	_ =	shalt  }
0x6d: {  	_ =	shalt  }
0x6e: {  	_ =	shalt  }
0x6f: {  	_ =	shalt  }
0x70: {  	_ =	shalt  }
0x71: {  	_ =	shalt  }
0x72: {  	_ =	shalt  }
0x73: {  	_ =	shalt  }
0x74: {  	_ =	shalt  }
0x75: {  	_ =	shalt  }
0x76: {  	_ =	shalt  }
0x77: {  	_ =	shalt  }
0x78: {  	_ =	shalt  }
0x79: {  	_ =	shalt  }
0x7a: {  	_ =	shalt  }
0x7b: {  	_ =	shalt  }
0x7c: {  	_ =	shalt  }
0x7d: {  	_ =	shalt  }
0x7e: {  	_ =	shalt  }
0x7f: {  	_ =	shalt  }
0x80: {  	_ =	shalt  }
0x81: {  	_ =	shalt  }
0x82: {  	_ =	shalt  }
0x83: {  	_ =	shalt  }
0x84: {  	_ =	shalt  }
0x85: {  	_ =	shalt  }
0x86: {  	_ =	shalt  }
0x87: {  	_ =	shalt  }
.Lfunc_end0:
.L_simem_size_0:
called_computation_lowered:
.L_overlay_start_0:
0x88: {  	s2 =	sld [smem:$0x3FD9]  }
0x89: {  	s3 =	sld [smem:$0x3FFE];
	_ =	sdelay $0x1  }
0x8a: {  	s1 =	srdreg.scid  }
0x8b: {  	s0 =	sand.u32 $0x1, s1  }
0x8c: {  	s18 =	sshll.u32 s0, $0xA;
	s2 =	sadd.s32 s3, s2  }
0x8d: {  	s2 =	sadd.s32 s2, s18  }
0x8e: {  	[smem:$0x3FC6] =	sst s2  }
0x8f: {  	_ = 	snop  }
0x90: {  	s2 =	sld [smem:$0x3FC9]  }
0x91: {  	s19 =	sld [smem:$0x3FC8]  }
0x92: {  	s4 =	sld [smem:$0x3FD0];
	(tm) =	ssettm $0x1  }
0x93: {  	s5 =	sld [smem:$0x3FFB];
	_ =	sdelay $0x3  }
0x94: {  	_ =	strace s5  }
0x95: {  	s5 =	sld [smem:$0x3FFC];
	_ =	sdelay $0x3  }
0x96: {  	_ =	strace s5  }
0x97: {  	s5 =	sld [smem:$0x3FFD];
	_ =	sdelay $0x3  }
0x98: {  	_ =	strace s5  }
0x99: {  	_ =	strace $0x8FFFFFFF  }
0x9a: {  	s20 =	sld [smem:$0x3FDB];
	_ =	sdelay $0x1  }
0x9b: {  	s6 =	simm.s32 $_scs_section_size  }
0x9c: {  	s7 =	simm.s32 $_size__tile_overlayer_lowered;
	s8 =	simm.s32 $_tile_overlayer_lowered  }
0x9d: {  	s23 =	simm.s32 $0x1BFF;
	s22 =	sshll.u32 s8, $0x1;
	s5 =	sadd.s32 s6, s20  }
0x9e: {  	s9 =	simm.s32 $0x0;
	s21 =	sshll.u32 s7, $0x1;
	s7 =	sadd.s32 s22, s5  }
0x9f: {  	[timem:s9], [sflag:s23] =	dma.local [hbm:s7], s21  }
0xa0: {  	_ =	swait.ge [sflag:s23], s21  }
0xa1: {  	s6 =	ssub.s32 $0x0, s21;
	[sflag:s23] =	ssyncset.done $0x0  }
0xa2: {  	[sflag:s23] =	ssyncadd.s32 s6;
	_ =	sdelay $0x1  }
0xa3: {  	s24 =	simm.s32 $0x1B8B  }
0xa4: {  	_ =	swait.ge [sflag:s24], $0x1  }
0xa5: {  	[sflag:s24] =	ssyncset.done $0x0  }
0xa6: {  	s25 =	simm.s32 $0x1B8E;
	[sflag:s24] =	ssyncadd.s32 $0xFFFFFFFF  }
0xa7: {  	s26 =	simm.s32 $execute0_lowered;
	[smem:$0x3FD2] =	sst s25  }
0xa8: {  	s6 =	sshll.u32 s26, $0x1;
	_ =	strace $0x80000046;
	[dreg:$0x1] =	wrdreg $0xFFFFFFFF  }
0xa9: {  	s28 =	simm.s32 $_size_execute0_lowered;
	s5 =	sadd.s32 s5, s6;
	[dreg:$0x0] =	wrdreg $0x0  }
0xaa: {  	s6 =	sshll.u32 s28, $0x1;
	[dreg:$0x2] =	wrdreg s5  }
0xab: {  	[dreg:$0x3] =	wrdreg s6  }
0xac: {  	[dreg:$0x4] =	wrdreg $0xC0  }
0xad: {  	_ =	task [dreg:s9], $0x5FFFF  }
0xae: {  	[dreg:$0x1] =	wrdreg $0xFFFFFFFF  }
0xaf: {  	[dreg:$0x0] =	wrdreg $0x60  }
0xb0: {  	[dreg:$0x2] =	wrdreg s19  }
0xb1: {  	[dreg:$0x3] =	wrdreg s2  }
0xb2: {  	[dreg:$0x4] =	wrdreg s4  }
0xb3: {  	[dreg:$0x5] =	wrdreg $0x9  }
0xb4: {  	_ =	task.clear_ibuf [dreg:s9], $0x6FFFF;
	_ =	strace $0x90000046  }
0xb5: {  	s29 =	simm.s32 $0x9;
	_ =	strace $0x80000048  }
0xb6: {  	_ =	swait.ge [sflag:s29], $0x1  }
0xb7: {  	[sflag:s29] =	ssyncadd.s32 $0xFFFFFFFF  }
0xb8: {  	_ =	strace $0x90000048  }
0xb9: {  	_ =	sfence  }
0xba: {  	s30 =	sld [smem:$0x0];
	_ =	sdelay $0x2  }
0xbb: {  	s31 =	sshll.u32 s1, $0xD;
	s1 =	sshrl.u32 s1, $0x2  }
0xbc: {  	s3 =	sand.u32 $0x4000, s31;
	s1 =	sadd.s32 s1, s30  }
0xbd: {  	s0 =	sor.u32 s3, s0;
	s1 =	sshll.u32 s1, $0x11  }
0xbe: {  	s0 =	sor.u32 s1, s0  }
0xbf: {  	s0 =	sadd.s32 $0x8F2B, s0  }
0xc0: {  	[sflag:s0] =	ssyncadd.remote.s32 $0x1  }
0xc1: {  	_ =	sfence.sel $0xFFFF  }
0xc2: {  	[dreg:$0x0] =	wrdreg $0xFFFFFFFF;
	(pc) =	sbr.abs _section_cstart, $3  }
0xc3: {  	[dreg:$0x1] =	wrdreg $0xFFFFFFFF  }
0xc4: {  	_ =	task.clear_ibuf [dreg:s9], $0x2FFFF;
	_ =	strace $0x9FFFFFFF  }
0xc5: {  	(tm) =	ssettm $0x7FFFFFFF  }
tec
execute0_lowered:
.L_overlay_start_1:
0x0: {  	(tag) =	ssettag $0x1  }
0x1: {  	s1 =	rddreg [dreg:$0x0]  }
0x2: {  	s0 =	rddreg [dreg:$0x1]  }
0x3: {  	s2 =	rddreg [dreg:$0x2];
	s3 =	simm.s32 $0x0  }
0x4: {  	s4 =	srdreg.scid;
	s10 =	stileid.u32;
	s12 =	simm.s32 $0x80  }
0x5: {  	s13 =	simm.s32 $0x1C00;
	s14 =	simm.s32 $0x5C00;
	s18 =	simm.s32 $0xDC00  }
0x6: {  	s19 =	simm.s32 $0x11C00;
	s20 =	simm.s32 $0x1;
	s28 =	simm.s32 $0x9  }
0x7: {  	s29 =	simm.s32 $0xA;
	s30 =	simm.s32 $0x0;
	[smem:$0x7FF] =	sst s3  }
0x8: {  	s6 =	sand.u32 $0x1, s4;
	s21 =	sshll.u32 s10, $0x1;
	s24 =	sshll.u32 s10, $0xC  }
0x9: {  	_ =	strace $0x80000047;
	s5 =	ssub.s32 $0x2, s6;
	s4 =	sor.u32 s6, s21  }
0xa: {  	s25 =	sadd.s32 s24, s2;
	s26 =	sshll.u32 s6, $0xB;
	s21 =	simm.s32 $0x2  }
0xb: {  	s7 =	sshrl.u32 s5, $0x1;
	s8 =	sshll.u32 s4, $0x7;
	s9 =	sshll.u32 s4, $0xB  }
0xc: {  	s7 =	ssub.s32 s5, s7;
	s22 =	sadd.s32 s0, s8;
	s23 =	sadd.s32 s9, s2  }
0xd: {  	[dreg:$0x5] =	wrdreg s22;
	s4 =	sadd.s32 $0x6000, s22;
	s0 =	sadd.s32 $0x2F0000, s23  }
0xe: {  	s31 =	smax.u32 s7, $0x1;
	s7 =	sadd.s32 s26, s25;
	[dreg:$0x6] =	wrdreg s4  }
0xf: {  	s22 =	simm.s32 $0x4;
	s23 =	simm.s32 $0x5;
	[dreg:$0x4] =	wrdreg s0  }
0x10: {  	s25 =	simm.s32 $0x7;
	s26 =	simm.s32 $0x8;
	[dreg:$0x7] =	wrdreg s31  }
.LBB2_1:
0x11: {  	s0 =	rddreg [dreg:$0x5];
	s2 =	simm.s32 $0x400;
	s4 =	simm.s32 $0x8000  }
0x12: {  	[tilespmem:s3], [sflag:$0xB] =	stream.strided.gather [hbm4b:s0+s2], $0x1800, s4, s2, $0x38;
	[tilespmem:$0x15C00] =	vst v63  }
0x13: {  	s6 =	rddreg [dreg:$0x6];
	s8 =	simm.s32 $0x1800;
	s9 =	simm.s32 $0xB  }
0x14: {  	[tilespmem:s8], [sflag:$0xB] =	stream.linear.gather [hbm4b:s6+s3], $0x100, $0x38;
	[tilespmem:$0x15C00] =	vst v63  }
0x15: {  	_ =	swait.ge [sflag:s9], $0x1900  }
0x16: {  	[sflag:s9] =	ssyncset.done $0x0  }
0x17: {  	[sflag:s9] =	ssyncadd.s32 $0xFFFFE700  }
0x18: {  	[tilespmem:s13], [sflag:$0x1] =	stream.indirect.gather [hbm4b:s1+s12], $0x80, s3, s12, $0xb8;
	[tilespmem:$0x15C00] =	vst v63  }
0x19: {  	_ = 	snop  }
0x1a: {  	[tilespmem:s14], [sflag:$0x2] =	stream.indirect.gather [hbm4b:s1+s12], $0x80, s12, s12, $0xb8;
	[tilespmem:$0x15C00] =	vst v63  }
0x1b: {  	s10 =	simm.s32 $0x100;
	s11 =	simm.s32 $0x9C00;
	p0 =	por $0x1, $0x1  }
0x1c: {  	[tilespmem:s11], [sflag:$0x3] =	stream.indirect.gather [hbm4b:s1+s12], $0x80, s10, s12, $0xb8;
	[tilespmem:$0x15C00] =	vst v63  }
0x1d: {  	s15 =	simm.s32 $0x180;
	s0 =	simm.s32 @!p0 $0xA  }
0x1e: {  	[tilespmem:s18], [sflag:$0x4] =	stream.indirect.gather [hbm4b:s1+s12], $0x80, s15, s12, $0xb8;
	[tilespmem:$0x15C00] =	vst v63  }
0x1f: {  	_ =	swait.ge @!p0 [sflag:s0], $0x4000  }
0x20: {  	[sflag:s0] =	ssyncset.done @!p0 $0x0  }
0x21: {  	s16 =	simm.s32 $0x200;
	[sflag:s0] =	ssyncadd.s32 @!p0 $0xFFFFC000  }
0x22: {  	[tilespmem:s19], [sflag:$0x5] =	stream.indirect.gather [hbm4b:s1+s12], $0x80, s16, s12, $0xb8;
	[tilespmem:$0x15C00] =	vst v63  }
0x23: {  	_ =	swait.ge [sflag:s20], $0x4000  }
0x24: {  	p0 =	por $0x0, $0x0;
	[sflag:s20] =	ssyncset.done $0x0  }
0x25: {  	s0 =	simm.s32 @!p0 $0x6;
	[sflag:s20] =	ssyncadd.s32 $0xFFFFC000  }
0x26: {  	[hbm4b:s7+s3] =	stream.linear.scatter [tilespmem:s13], [sflag:$0x6], $0x4000, $0x38;
	[tilespmem:$0x15C00] =	vst v63  }
0x27: {  	_ =	swait.ge @!p0 [sflag:s0], $0x4000  }
0x28: {  	s2 =	simm.s32 @!p0 $0x280;
	[sflag:s0] =	ssyncset.done @!p0 $0x0  }
0x29: {  	s8 =	simm.s32 @!p0 $0x80;
	s9 =	simm.s32 @!p0 $0x1C00;
	[sflag:s0] =	ssyncadd.s32 @!p0 $0xFFFFC000  }
0x2a: {  	[tilespmem:s9], [sflag:$0x1] =	stream.indirect.gather @!p0 [hbm4b:s1+s8], $0x80, s2, s8, $0xb8;
	[tilespmem:$0x15C00] =	vst v63  }
0x2b: {  	_ =	swait.ge [sflag:s21], $0x4000  }
0x2c: {  	[sflag:s21] =	ssyncset.done $0x0  }
0x2d: {  	s17 =	sadd.s32 $0x10000, s7;
	s2 =	simm.s32 @p0 $0x3;
	[sflag:s21] =	ssyncadd.s32 $0xFFFFC000  }
0x2e: {  	[hbm4b:s17+s3] =	stream.linear.scatter [tilespmem:s14], [sflag:$0x7], $0x4000, $0x38;
	[tilespmem:$0x15C00] =	vst v63  }
0x2f: {  	_ =	swait.ge @p0 [sflag:s2], $0x4000  }
0x30: {  	s10 =	simm.s32 @!p0 $0x7;
	s9 =	simm.s32 @p0 $0x9C00;
	[sflag:s2] =	ssyncset.done @p0 $0x0  }
0x31: {  	s0 =	rddreg [dreg:$0x4];
	[sflag:s2] =	ssyncadd.s32 @p0 $0xFFFFC000;
	s2 =	simm.s32 @p0 $0x0  }
0x32: {  	[hbm4b:s0+s2] =	stream.linear.scatter @p0 [tilespmem:s9], [sflag:$0x8], $0x4000, $0x38;
	[tilespmem:$0x15C00] =	vst v63  }
0x33: {  	_ =	swait.ge @!p0 [sflag:s10], $0x4000  }
0x34: {  	s0 =	simm.s32 @!p0 $0x300;
	[sflag:s10] =	ssyncset.done @!p0 $0x0  }
0x35: {  	s2 =	simm.s32 @!p0 $0x5C00;
	s9 =	simm.s32 @!p0 $0x3;
	[sflag:s10] =	ssyncadd.s32 @!p0 $0xFFFFC000  }
0x36: {  	[tilespmem:s2], [sflag:$0x2] =	stream.indirect.gather @!p0 [hbm4b:s1+s8], $0x80, s0, s8, $0xb8;
	[tilespmem:$0x15C00] =	vst v63  }
0x37: {  	_ =	swait.ge @!p0 [sflag:s9], $0x4000  }
0x38: {  	s10 =	simm.s32 @!p0 $0x0;
	s0 =	simm.s32 @!p0 $0x9C00;
	[sflag:s9] =	ssyncset.done @!p0 $0x0  }
0x39: {  	s2 =	sadd.s32 @!p0 $0x20000, s7;
	[sflag:s9] =	ssyncadd.s32 @!p0 $0xFFFFC000;
	s9 =	simm.s32 @!p0 $0x8  }
0x3a: {  	[hbm4b:s2+s10] =	stream.linear.scatter @!p0 [tilespmem:s0], [sflag:$0x8], $0x4000, $0x38;
	[tilespmem:$0x15C00] =	vst v63  }
0x3b: {  	_ =	swait.ge @!p0 [sflag:s9], $0x4000  }
0x3c: {  	[sflag:s9] =	ssyncset.done @!p0 $0x0  }
0x3d: {  	s2 =	simm.s32 @!p0 $0x380;
	[sflag:s9] =	ssyncadd.s32 @!p0 $0xFFFFC000  }
0x3e: {  	[tilespmem:s0], [sflag:$0x3] =	stream.indirect.gather @!p0 [hbm4b:s1+s8], $0x80, s2, s8, $0xb8;
	[tilespmem:$0x15C00] =	vst v63  }
0x3f: {  	_ =	swait.ge [sflag:s22], $0x4000  }
0x40: {  	s24 =	sadd.s32 $0x30000, s7;
	[sflag:s22] =	ssyncset.done $0x0  }
0x41: {  	p1 =	por $0x0, $0x0;
	s9 =	simm.s32 @!p0 $0x9;
	[sflag:s22] =	ssyncadd.s32 $0xFFFFC000  }
0x42: {  	[hbm4b:s24+s3] =	stream.linear.scatter [tilespmem:s18], [sflag:$0x9], $0x4000, $0x38;
	[tilespmem:$0x15C00] =	vst v63  }
0x43: {  	s15 =	simm.s32 @!p0 $0xDC00;
	s10 =	simm.s32 @!p0 $0x400;
	_ =	swait.ge @!p0 [sflag:s9], $0x4000  }
0x44: {  	s2 =	simm.s32 $0xA00;
	s0 =	sadd.s32 $0x50000, s7;
	[sflag:s9] =	ssyncset.done @!p0 $0x0  }
0x45: {  	s31 =	sadd.s32 $0x40000, s0;
	[sflag:s9] =	ssyncadd.s32 @!p0 $0xFFFFC000;
	s9 =	simm.s32 $0x1400  }
0x46: {  	[tilespmem:s15], [sflag:$0x4] =	stream.indirect.gather @!p0 [hbm4b:s1+s8], $0x80, s10, s8, $0xb8;
	[tilespmem:$0x15C00] =	vst v63  }
0x47: {  	s8 =	sadd.s32 $0x40000, s7;
	s10 =	sadd.s32 $0x50000, s0;
	_ =	swait.ge [sflag:s23], $0x4000  }
.LBB2_2:
0x48: {  	[sflag:s23] =	ssyncset.done $0x0  }
0x49: {  	s15 =	simm.s32 @!p1 $0xA;
	[sflag:s23] =	ssyncadd.s32 $0xFFFFC000  }
0x4a: {  	[hbm4b:s8+s3] =	stream.linear.scatter [tilespmem:s19], [sflag:$0xA], $0x4000, $0x38;
	[tilespmem:$0x15C00] =	vst v63  }
0x4b: {  	_ =	swait.ge @!p1 [sflag:s15], $0x4000  }
0x4c: {  	s5 =	sshra.s32 s2, $0x2;
	[sflag:s15] =	ssyncset.done @!p1 $0x0  }
0x4d: {  	s5 =	sadd.s32 $0x200, s5;
	[sflag:s15] =	ssyncadd.s32 @!p1 $0xFFFFC000  }
0x4e: {  	[tilespmem:s19], [sflag:$0x5] =	stream.indirect.gather [hbm4b:s1+s12], $0x80, s5, s12, $0xb8;
	[tilespmem:$0x15C00] =	vst v63  }
0x4f: {  	_ =	swait.ge [sflag:s20], $0x4000  }
0x50: {  	s17 =	smov.u32 s9;
	p1 =	seq.s32 s2, $0x5A00;
	[sflag:s20] =	ssyncset.done $0x0  }
0x51: {  	s16 =	sadd.s32 $0x40000, s10;
	s5 =	simm.s32 @!p1 $0x6;
	[sflag:s20] =	ssyncadd.s32 $0xFFFFC000  }
0x52: {  	[hbm4b:s0+s3] =	stream.linear.scatter [tilespmem:s13], [sflag:$0x6], $0x4000, $0x38;
	[tilespmem:$0x15C00] =	vst v63  }
0x53: {  	s8 =	smov.u32 s31;
	s31 =	smov.u32 s16;
	_ =	swait.ge @!p1 [sflag:s5], $0x4000  }
0x54: {  	s2 =	sshra.s32 @!p1 s2, $0x2;
	s15 =	simm.s32 @!p1 $0x80;
	[sflag:s5] =	ssyncset.done @!p1 $0x0  }
0x55: {  	s11 =	simm.s32 @!p1 $0x1C00;
	s6 =	sadd.s32 @!p1 $0x280, s2;
	[sflag:s5] =	ssyncadd.s32 @!p1 $0xFFFFC000  }
0x56: {  	[tilespmem:s11], [sflag:$0x1] =	stream.indirect.gather @!p1 [hbm4b:s1+s15], $0x80, s6, s15, $0xb8;
	[tilespmem:$0x15C00] =	vst v63  }
0x57: {  	s4 =	sadd.s32 @!p1 $0x300, s2;
	s16 =	sadd.s32 @!p1 $0x400, s2;
	_ =	swait.ge [sflag:s21], $0x4000  }
0x58: {  	s5 =	sadd.s32 @!p1 $0x380, s2;
	s2 =	smov.u32 s17;
	[sflag:s21] =	ssyncset.done $0x0  }
0x59: {  	s17 =	sadd.s32 $0x10000, s0;
	s11 =	simm.s32 @p1 $0x3;
	[sflag:s21] =	ssyncadd.s32 $0xFFFFC000  }
0x5a: {  	[hbm4b:s17+s3] =	stream.linear.scatter [tilespmem:s14], [sflag:$0x7], $0x4000, $0x38;
	[tilespmem:$0x15C00] =	vst v63  }
0x5b: {  	_ =	swait.ge @p1 [sflag:s11], $0x4000  }
0x5c: {  	s24 =	simm.s32 @!p1 $0x7;
	s17 =	simm.s32 @p1 $0x9C00;
	[sflag:s11] =	ssyncset.done @p1 $0x0  }
0x5d: {  	s6 =	rddreg [dreg:$0x4];
	[sflag:s11] =	ssyncadd.s32 @p1 $0xFFFFC000;
	s11 =	simm.s32 @p1 $0x0  }
0x5e: {  	[hbm4b:s6+s11] =	stream.linear.scatter @p1 [tilespmem:s17], [sflag:$0x8], $0x4000, $0x38;
	[tilespmem:$0x15C00] =	vst v63  }
0x5f: {  	_ =	swait.ge @!p1 [sflag:s24], $0x4000  }
0x60: {  	[sflag:s24] =	ssyncset.done @!p1 $0x0  }
0x61: {  	s6 =	simm.s32 @!p1 $0x5C00;
	s11 =	simm.s32 @!p1 $0x3;
	[sflag:s24] =	ssyncadd.s32 @!p1 $0xFFFFC000  }
0x62: {  	[tilespmem:s6], [sflag:$0x2] =	stream.indirect.gather @!p1 [hbm4b:s1+s15], $0x80, s4, s15, $0xb8;
	[tilespmem:$0x15C00] =	vst v63  }
0x63: {  	_ =	swait.ge @!p1 [sflag:s11], $0x4000  }
0x64: {  	s17 =	simm.s32 @!p1 $0x0;
	s4 =	simm.s32 @!p1 $0x9C00;
	[sflag:s11] =	ssyncset.done @!p1 $0x0  }
0x65: {  	s6 =	sadd.s32 @!p1 $0x20000, s0;
	[sflag:s11] =	ssyncadd.s32 @!p1 $0xFFFFC000;
	s11 =	simm.s32 @!p1 $0x8  }
0x66: {  	[hbm4b:s6+s17] =	stream.linear.scatter @!p1 [tilespmem:s4], [sflag:$0x8], $0x4000, $0x38;
	[tilespmem:$0x15C00] =	vst v63  }
0x67: {  	_ =	swait.ge @!p1 [sflag:s11], $0x4000  }
0x68: {  	[sflag:s11] =	ssyncset.done @!p1 $0x0  }
0x69: {  	[sflag:s11] =	ssyncadd.s32 @!p1 $0xFFFFC000  }
0x6a: {  	[tilespmem:s4], [sflag:$0x3] =	stream.indirect.gather @!p1 [hbm4b:s1+s15], $0x80, s5, s15, $0xb8;
	[tilespmem:$0x15C00] =	vst v63  }
0x6b: {  	s9 =	sadd.s32 $0xA00, s9;
	_ =	swait.ge [sflag:s22], $0x4000  }
0x6c: {  	p0 =	sne.s32 s9, $0x6400;
	[sflag:s22] =	ssyncset.done $0x0  }
0x6d: {  	s24 =	sadd.s32 $0x30000, s0;
	s5 =	simm.s32 @!p1 $0x9;
	[sflag:s22] =	ssyncadd.s32 $0xFFFFC000  }
0x6e: {  	[hbm4b:s24+s3] =	stream.linear.scatter [tilespmem:s18], [sflag:$0x9], $0x4000, $0x38;
	[tilespmem:$0x15C00] =	vst v63  }
.Ltmp0:
0x6f: {  	_ =	swait.ge @!p1 [sflag:s5], $0x4000;
	(pc) =	sbr.rel @p0 .LBB2_2-.Ltmp0, $4  }
0x70: {  	[sflag:s5] =	ssyncset.done @!p1 $0x0  }
0x71: {  	s0 =	smov.u32 s10;
	s4 =	simm.s32 @!p1 $0xDC00;
	[sflag:s5] =	ssyncadd.s32 @!p1 $0xFFFFC000  }
0x72: {  	[tilespmem:s4], [sflag:$0x4] =	stream.indirect.gather @!p1 [hbm4b:s1+s15], $0x80, s16, s15, $0xb8;
	[tilespmem:$0x15C00] =	vst v63  }
0x73: {  	s10 =	sadd.s32 $0x50000, s10;
	p1 =	seq.s32 s2, $0x0;
	_ =	swait.ge [sflag:s23], $0x4000  }
0x74: {  	[sflag:s23] =	ssyncset.done $0x0  }
0x75: {  	s4 =	simm.s32 @!p1 $0xA;
	[sflag:s23] =	ssyncadd.s32 $0xFFFFC000  }
0x76: {  	[hbm4b:s8+s3] =	stream.linear.scatter [tilespmem:s19], [sflag:$0xA], $0x4000, $0x38;
	[tilespmem:$0x15C00] =	vst v63  }
0x77: {  	_ =	swait.ge @!p1 [sflag:s4], $0x4000  }
0x78: {  	s5 =	sshra.s32 s2, $0x2;
	[sflag:s4] =	ssyncset.done @!p1 $0x0  }
0x79: {  	s5 =	sadd.s32 $0x200, s5;
	[sflag:s4] =	ssyncadd.s32 @!p1 $0xFFFFC000  }
0x7a: {  	[tilespmem:s19], [sflag:$0x5] =	stream.indirect.gather [hbm4b:s1+s12], $0x80, s5, s12, $0xb8;
	[tilespmem:$0x15C00] =	vst v63  }
0x7b: {  	_ =	swait.ge [sflag:s20], $0x4000  }
0x7c: {  	p0 =	seq.s32 s2, $0x5A00;
	[sflag:s20] =	ssyncset.done $0x0  }
0x7d: {  	s4 =	simm.s32 @!p0 $0x6;
	[sflag:s20] =	ssyncadd.s32 $0xFFFFC000  }
0x7e: {  	[hbm4b:s0+s3] =	stream.linear.scatter [tilespmem:s13], [sflag:$0x6], $0x4000, $0x38;
	[tilespmem:$0x15C00] =	vst v63  }
0x7f: {  	_ =	swait.ge @!p0 [sflag:s4], $0x4000  }
0x80: {  	s2 =	sshra.s32 @!p0 s2, $0x2;
	s6 =	simm.s32 @!p0 $0x80;
	[sflag:s4] =	ssyncset.done @!p0 $0x0  }
0x81: {  	s8 =	simm.s32 @!p0 $0x1C00;
	s5 =	sadd.s32 @!p0 $0x280, s2;
	[sflag:s4] =	ssyncadd.s32 @!p0 $0xFFFFC000  }
0x82: {  	[tilespmem:s8], [sflag:$0x1] =	stream.indirect.gather @!p0 [hbm4b:s1+s6], $0x80, s5, s6, $0xb8;
	[tilespmem:$0x15C00] =	vst v63  }
0x83: {  	_ =	swait.ge [sflag:s21], $0x4000  }
0x84: {  	[sflag:s21] =	ssyncset.done $0x0  }
0x85: {  	s16 =	sadd.s32 $0x10000, s0;
	s5 =	simm.s32 @p0 $0x3;
	[sflag:s21] =	ssyncadd.s32 $0xFFFFC000  }
0x86: {  	[hbm4b:s16+s3] =	stream.linear.scatter [tilespmem:s14], [sflag:$0x7], $0x4000, $0x38;
	[tilespmem:$0x15C00] =	vst v63  }
0x87: {  	_ =	swait.ge @p0 [sflag:s5], $0x4000  }
0x88: {  	s8 =	simm.s32 @p0 $0x9C00;
	[sflag:s5] =	ssyncset.done @p0 $0x0  }
0x89: {  	s4 =	rddreg [dreg:$0x4];
	[sflag:s5] =	ssyncadd.s32 @p0 $0xFFFFC000;
	s5 =	simm.s32 @p0 $0x0  }
0x8a: {  	[hbm4b:s4+s5] =	stream.linear.scatter @p0 [tilespmem:s8], [sflag:$0x8], $0x4000, $0x38;
	[tilespmem:$0x15C00] =	vst v63  }
0x8b: {  	s4 =	simm.s32 @!p0 $0x7  }
0x8c: {  	_ =	swait.ge @!p0 [sflag:s4], $0x4000  }
0x8d: {  	s5 =	sadd.s32 @!p0 $0x300, s2;
	[sflag:s4] =	ssyncset.done @!p0 $0x0  }
0x8e: {  	s8 =	simm.s32 @!p0 $0x5C00;
	[sflag:s4] =	ssyncadd.s32 @!p0 $0xFFFFC000;
	s4 =	simm.s32 @!p0 $0x3  }
0x8f: {  	[tilespmem:s8], [sflag:$0x2] =	stream.indirect.gather @!p0 [hbm4b:s1+s6], $0x80, s5, s6, $0xb8;
	[tilespmem:$0x15C00] =	vst v63  }
0x90: {  	_ =	swait.ge @!p0 [sflag:s4], $0x4000  }
0x91: {  	s5 =	simm.s32 @!p0 $0x9C00;
	[sflag:s4] =	ssyncset.done @!p0 $0x0  }
0x92: {  	s8 =	sadd.s32 @!p0 $0x20000, s0;
	[sflag:s4] =	ssyncadd.s32 @!p0 $0xFFFFC000;
	s4 =	simm.s32 @!p0 $0x0  }
0x93: {  	[hbm4b:s8+s4] =	stream.linear.scatter @!p0 [tilespmem:s5], [sflag:$0x8], $0x4000, $0x38;
	[tilespmem:$0x15C00] =	vst v63  }
0x94: {  	s4 =	simm.s32 @!p0 $0x8  }
0x95: {  	_ =	swait.ge @!p0 [sflag:s4], $0x4000  }
0x96: {  	[sflag:s4] =	ssyncset.done @!p0 $0x0  }
0x97: {  	[sflag:s4] =	ssyncadd.s32 @!p0 $0xFFFFC000;
	s4 =	sadd.s32 @!p0 $0x380, s2  }
0x98: {  	[tilespmem:s5], [sflag:$0x3] =	stream.indirect.gather @!p0 [hbm4b:s1+s6], $0x80, s4, s6, $0xb8;
	[tilespmem:$0x15C00] =	vst v63  }
0x99: {  	_ =	swait.ge [sflag:s22], $0x4000  }
0x9a: {  	[sflag:s22] =	ssyncset.done $0x0  }
0x9b: {  	s17 =	sadd.s32 $0x30000, s0;
	s0 =	simm.s32 @!p0 $0x9;
	[sflag:s22] =	ssyncadd.s32 $0xFFFFC000  }
0x9c: {  	[hbm4b:s17+s3] =	stream.linear.scatter [tilespmem:s18], [sflag:$0x9], $0x4000, $0x38;
	[tilespmem:$0x15C00] =	vst v63  }
0x9d: {  	_ =	swait.ge @!p0 [sflag:s0], $0x4000  }
0x9e: {  	[sflag:s0] =	ssyncset.done @!p0 $0x0  }
0x9f: {  	s2 =	sadd.s32 @!p0 $0x400, s2;
	[sflag:s0] =	ssyncadd.s32 @!p0 $0xFFFFC000;
	s0 =	simm.s32 @!p0 $0xDC00  }
0xa0: {  	[tilespmem:s0], [sflag:$0x4] =	stream.indirect.gather @!p0 [hbm4b:s1+s6], $0x80, s2, s6, $0xb8;
	[tilespmem:$0x15C00] =	vst v63  }
0xa1: {  	_ =	swait.ge [sflag:s23], $0x4000  }
0xa2: {  	[sflag:s23] =	ssyncset.done $0x0  }
0xa3: {  	s24 =	simm.s32 $0x6;
	[sflag:s23] =	ssyncadd.s32 $0xFFFFC000  }
0xa4: {  	[hbm4b:s31+s3] =	stream.linear.scatter [tilespmem:s19], [sflag:$0xA], $0x4000, $0x38;
	[tilespmem:$0x15C00] =	vst v63  }
0xa5: {  	_ =	swait.ge [sflag:s24], $0x4000  }
0xa6: {  	[sflag:s24] =	ssyncset.done $0x0  }
0xa7: {  	[sflag:s24] =	ssyncadd.s32 $0xFFFFC000  }
0xa8: {  	_ =	swait.ge [sflag:s25], $0x4000  }
0xa9: {  	[sflag:s25] =	ssyncset.done $0x0  }
0xaa: {  	[sflag:s25] =	ssyncadd.s32 $0xFFFFC000  }
0xab: {  	_ =	swait.ge [sflag:s26], $0x4000  }
0xac: {  	[sflag:s26] =	ssyncset.done $0x0  }
0xad: {  	[sflag:s26] =	ssyncadd.s32 $0xFFFFC000  }
0xae: {  	_ =	swait.ge [sflag:s28], $0x4000  }
0xaf: {  	[sflag:s28] =	ssyncset.done $0x0  }
0xb0: {  	[sflag:s28] =	ssyncadd.s32 $0xFFFFC000  }
0xb1: {  	_ =	swait.ge [sflag:s29], $0x4000  }
0xb2: {  	s30 =	sadd.s32 $0x1, s30;
	s31 =	rddreg [dreg:$0x7]  }
0xb3: {  	p0 =	sne.s32 s30, s31  }
.Ltmp1:
0xb4: {  	_ = 	snop;
	(pc) =	sbr.rel @p0 .LBB2_1-.Ltmp1, $3  }
0xb5: {  	_ =	sdelay $0x1  }
0xb6: {  	[sflag:s29] =	ssyncset.done $0x0  }
0xb7: {  	[sflag:s29] =	ssyncadd.s32 $0xFFFFC000  }
0xb8: {  	_ =	sfence.sel $0x180000  }
0xb9: {  	[bflag:$0x0] =	sbarrier.arrive $0xFFFF  }
0xba: {  	_ =	strace $0x90000047  }
0xbb: {  	s0 =	stileid.u32;
	[bflag:$0x2] =	sbarrier.arrive $0xFFFF  }
0xbc: {  	p0 =	sne.s32 s0, $0x0;
	s0 =	rddreg [dreg:$0x3]  }
0xbd: {  	s0 =	sadd.s32 @!p0 $0x100000, s0  }
0xbe: {  	[sflag:s0] =	ssyncadd.tile.s32 @!p0 $0x1;
	_ =	shalt  }
.Lfunc_end2:
_tile_overlayer_lowered:
.L_overlay_start_2:
0xbf: {  	(tag) =	ssettag $0x2  }
0xc0: {  	s0 =	rddreg [dreg:$0x0];
	s2 =	stileid.u32  }
0xc1: {  	s1 =	rddreg [dreg:$0x1];
	p0 =	sne.s32 s2, $0x0  }
0xc2: {  	s3 =	rddreg [dreg:$0x2];
	[bflag:$0x3] =	sbarrier.arrive $0xFFFF;
	s2 =	simm.s32 @!p0 $0x1C0B  }
0xc3: {  	[timem:s3], [sflag:s2] =	dma.local @!p0 [hbm:s0], s1  }
0xc4: {  	s0 =	simm.s32 @!p0 $0xB  }
0xc5: {  	_ =	swait.ge @!p0 [sflag:s0], s1  }
0xc6: {  	s1 =	ssub.s32 @!p0 $0x0, s1;
	[sflag:s0] =	ssyncset.done @!p0 $0x0  }
0xc7: {  	[sflag:s0] =	ssyncadd.s32 @!p0 s1  }
0xc8: {  	[bflag:$0x3] =	sbarrier.arrive $0xFFFF  }
0xc9: {  	_ =	shalt  }

</sc_bundles>
